<compile_context>
chip_gen: v7x
topology: tpu7x:2x2x1
jax: 0.10.2.dev20260603
libtpu: 0.0.44.dev20260713+nightly
codegen_flags: <defaults>
</compile_context>

<pallas_src>
import functools

import jax
import jax.numpy as jnp
from jax import lax
from jax.experimental import pallas as pl
from jax.experimental.pallas import tpu as pltpu
from jax.experimental.pallas import tpu_sc as plsc

_V = 100000
_EMBED = 32
_NC = 2
_NS = 16
_NW = _NC * _NS
_CHUNK = 128
_TCPW = 24




def _make_gather2(B):
    bpw = B // _NW
    nchunk = bpw // _CHUNK
    mesh = plsc.VectorSubcoreMesh(core_axis_name="c", subcore_axis_name="s")

    @functools.partial(
        pl.kernel,
        mesh=mesh,
        compiler_params=pltpu.CompilerParams(use_tc_tiling_on_sc=False),
        out_type=jax.ShapeDtypeStruct((B, 2 * _EMBED), jnp.float32),
        scratch_types=[
            pltpu.VMEM((nchunk, _CHUNK), jnp.int32),
            pltpu.VMEM((2, _CHUNK, _EMBED), jnp.float32),
            pltpu.VMEM((2, _CHUNK, _EMBED), jnp.float32),
            pltpu.SemaphoreType.DMA,
            pltpu.SemaphoreType.DMA,
            pltpu.SemaphoreType.DMA,
        ],
    )
    def gather2(idx_hbm, ct_hbm, rt_hbm, out_hbm,
                idx_v, rows_c, rows_r, sem_c, sem_r, sem_w):
        wid = lax.axis_index("s") * _NC + lax.axis_index("c")
        base = wid * bpw
        pltpu.sync_copy(idx_hbm.at[wid], idx_v)
        gc = [None] * nchunk
        gr = [None] * nchunk
        wc = [None] * nchunk
        wr = [None] * nchunk

        def fire_writes(p):
            s = p % 2
            gc[p].wait()
            wc[p] = pltpu.async_copy(
                rows_c.at[s],
                out_hbm.at[pl.ds(base + p * _CHUNK, _CHUNK), pl.ds(0, _EMBED)],
                sem_w)
            gr[p].wait()
            wr[p] = pltpu.async_copy(
                rows_r.at[s],
                out_hbm.at[pl.ds(base + p * _CHUNK, _CHUNK),
                           pl.ds(_EMBED, _EMBED)],
                sem_w)

        for j in range(nchunk):
            s = j % 2
            if j >= 2:
                wc[j - 2].wait()
                wr[j - 2].wait()
            gc[j] = pltpu.async_copy(ct_hbm.at[idx_v.at[j]], rows_c.at[s], sem_c)
            gr[j] = pltpu.async_copy(rt_hbm.at[idx_v.at[j]], rows_r.at[s], sem_r)
            if j >= 1:
                fire_writes(j - 1)
        fire_writes(nchunk - 1)
        for p in (nchunk - 2, nchunk - 1):
            wc[p].wait()
            wr[p].wait()

    return gather2


_B = 1024 * 20
_GATHER2 = _make_gather2(_B)


def _tc_copy_kernel(in_ref, out_ref):
    out_ref[...] = in_ref[...]


def _tc_copy_t(table_t):
    d, v = table_t.shape
    blk = 8
    return pl.pallas_call(
        _tc_copy_kernel,
        grid=(d // blk,),
        in_specs=[pl.BlockSpec((blk, v), lambda i: (i, 0))],
        out_specs=pl.BlockSpec((blk, v), lambda i: (i, 0)),
        out_shape=jax.ShapeDtypeStruct((d, v), table_t.dtype),
    )(table_t)


def _tc_outxpose_kernel(in_ref, out_ref):
    z = in_ref[...].reshape(_CHUNK, 10, _CHUNK)
    out_ref[...] = jnp.transpose(z, (1, 2, 0))


def _tc_outxpose(out_flat, batch, prog_len):
    rowsper = prog_len * 2 * _EMBED // _CHUNK
    x = out_flat.reshape(batch * rowsper, _CHUNK)
    blk = _CHUNK
    y = pl.pallas_call(
        _tc_outxpose_kernel,
        grid=(batch // blk,),
        in_specs=[pl.BlockSpec((blk * rowsper, _CHUNK), lambda i: (i, 0))],
        out_specs=pl.BlockSpec((rowsper, _CHUNK, blk), lambda i: (0, 0, i)),
        out_shape=jax.ShapeDtypeStruct((rowsper, _CHUNK, batch), jnp.float32),
    )(x)
    y = y.reshape(prog_len, 2 * _EMBED, batch)
    return y.transpose(2, 0, 1)


def kernel(program, concept_table, relation_table):
    batch, prog_len = program.shape[0], program.shape[1]
    idx = program[:, :, 1].astype(jnp.int32).reshape(_NW, -1, _CHUNK)
    out = _GATHER2(idx, concept_table, relation_table)
    out = _tc_outxpose(out, batch, prog_len)
    all_concepts = _tc_copy_t(concept_table.T).T
    return out, all_concepts

# --- scband reference (transcript-rebuilt; emitter-appended) ---
"""Pipeline reference for scband-hembedding-28346784154239 (READ-ONLY COPY).

The authoritative reference and input builder live on the scoring server;
editing this copy changes nothing except your own understanding.
"""

import jax, jax.numpy as jnp
import numpy as np

BATCH = 1024
PROG_LEN = 20
MAX_CONCEPTS = 100000
EMBED_DIM = 32


def setup_inputs(seed: int = 0) -> dict:
    key = jax.random.key(seed)
    k1, k2, k3 = jax.random.split(key, 3)
    program = jax.random.randint(k1, (BATCH, PROG_LEN, 2), 0, MAX_CONCEPTS, dtype=jnp.int64)
    concept_table = jax.random.normal(k2, (MAX_CONCEPTS, EMBED_DIM), dtype=jnp.float32)
    relation_table = jax.random.normal(k3, (MAX_CONCEPTS, EMBED_DIM), dtype=jnp.float32)
    return {"program": program, "concept_table": concept_table, "relation_table": relation_table}


def reference(program, concept_table, relation_table):
    # HEmbedding forward (embedding-lookup core, model='add'):
    #   concept_arguments  = concept_embedding(program[:, :, 1])
    #   relation_arguments = relation_embedding(program[:, :, 1])
    idx = program[:, :, 1]
    concept_arguments = jnp.take(concept_table, idx, axis=0)
    relation_arguments = jnp.take(relation_table, idx, axis=0)
    # all_concepts = concept_embedding(arange(max_concepts))
    all_concepts = jnp.take(concept_table, jnp.arange(MAX_CONCEPTS), axis=0)
    out = jnp.concatenate([concept_arguments, relation_arguments], axis=-1)
    return (out, all_concepts)

if __name__ == "__main__":
    import jax
    _d = setup_inputs()
    print(jax.jit(kernel)(*tuple(_d.values())))

</pallas_src>

<mosaic_0001>
#map = affine_map<(d0, d1) -> (0, 0, 0)>
#map1 = affine_map<(d0, d1) -> (0, 0)>
module attributes {stable_mosaic.version = 14 : i64} {
  func.func @gather2(%arg0: i32, %arg1: i32, %arg2: memref<32x5x128xi32, #tpu.memory_space<hbm>>, %arg3: memref<100000x32xf32, #tpu.memory_space<hbm>>, %arg4: memref<100000x32xf32, #tpu.memory_space<hbm>>, %arg5: memref<20480x64xf32, #tpu.memory_space<hbm>>, %arg6: memref<5x128xi32, #tpu.memory_space<vmem>>, %arg7: memref<2x128x32xf32, #tpu.memory_space<vmem>>, %arg8: memref<2x128x32xf32, #tpu.memory_space<vmem>>, %arg9: memref<!tpu.dma_semaphore, #tpu.memory_space<semaphore_mem>>, %arg10: memref<!tpu.dma_semaphore, #tpu.memory_space<semaphore_mem>>, %arg11: memref<!tpu.dma_semaphore, #tpu.memory_space<semaphore_mem>>) attributes {dimension_semantics = [#tpu.dimension_semantics<core_parallel>, #tpu.dimension_semantics<subcore_parallel>], iteration_bounds = array<i64: 2, 16>, scalar_prefetch = 0 : i64, scratch_operands = 6 : i64, tpu.core_type = #tpu.core_type<sc_vector_subcore>, window_params = [{transform_indices = #map}, {transform_indices = #map1}, {transform_indices = #map1}, {transform_indices = #map1}]} {
    %mul3A = arith.constant 2 : i32
    %mul3A_0 = arith.muli %arg1, %mul3A : i32
    %add3A = arith.addi %mul3A_0, %arg0 : i32
    %mul3A_1 = arith.constant 640 : i32
    %mul3A_2 = arith.muli %add3A, %mul3A_1 : i32
    "tpu.region"() ({
      %run_scoped3A = tpu.sem_alloc : memref<!tpu.dma_semaphore, #tpu.memory_space<semaphore_mem>>
      %dma_start3A_521 = arith.constant 0 : i32
      %dma_start3A_522 = arith.constant 0 : i32
      %dma_start3A_523 = tpu.memref_slice %arg2[%add3A, %dma_start3A_521, %dma_start3A_522] : memref<32x5x128xi32, #tpu.memory_space<hbm>> -> memref<1x5x128xi32, #tpu.memory_space<hbm>>
      %dma_start3A_524 = tpu.memref_squeeze %dma_start3A_523 : memref<1x5x128xi32, #tpu.memory_space<hbm>> -> memref<5x128xi32, #tpu.memory_space<hbm>>
      %dma_start3A_525 = arith.constant 0 : i32
      %dma_start3A_526 = arith.constant 0 : i32
      %dma_start3A_527 = tpu.memref_slice %arg2[%add3A, %dma_start3A_525, %dma_start3A_526] : memref<32x5x128xi32, #tpu.memory_space<hbm>> -> memref<1x5x128xi32, #tpu.memory_space<hbm>>
      %dma_start3A_528 = tpu.memref_squeeze %dma_start3A_527 : memref<1x5x128xi32, #tpu.memory_space<hbm>> -> memref<5x128xi32, #tpu.memory_space<hbm>>
      tpu.enqueue_dma source(%dma_start3A_528 : memref<5x128xi32, #tpu.memory_space<hbm>>) target(%arg6 : memref<5x128xi32, #tpu.memory_space<vmem>>) target_semaphore(%run_scoped3A : memref<!tpu.dma_semaphore, #tpu.memory_space<semaphore_mem>>)
      %dma_wait3A_529 = arith.constant 0 : i32
      %dma_wait3A_530 = arith.constant 0 : i32
      %dma_wait3A_531 = tpu.memref_slice %arg2[%add3A, %dma_wait3A_529, %dma_wait3A_530] : memref<32x5x128xi32, #tpu.memory_space<hbm>> -> memref<1x5x128xi32, #tpu.memory_space<hbm>>
      %dma_wait3A_532 = tpu.memref_squeeze %dma_wait3A_531 : memref<1x5x128xi32, #tpu.memory_space<hbm>> -> memref<5x128xi32, #tpu.memory_space<hbm>>
      %dma_wait3A_533 = arith.constant 0 : i32
      %dma_wait3A_534 = arith.constant 0 : i32
      %dma_wait3A_535 = tpu.memref_slice %arg2[%add3A, %dma_wait3A_533, %dma_wait3A_534] : memref<32x5x128xi32, #tpu.memory_space<hbm>> -> memref<1x5x128xi32, #tpu.memory_space<hbm>>
      %dma_wait3A_536 = tpu.memref_squeeze %dma_wait3A_535 : memref<1x5x128xi32, #tpu.memory_space<hbm>> -> memref<5x128xi32, #tpu.memory_space<hbm>>
      tpu.wait_dma2 semaphore(%run_scoped3A : memref<!tpu.dma_semaphore, #tpu.memory_space<semaphore_mem>>) src(%dma_wait3A_536 : memref<5x128xi32, #tpu.memory_space<hbm>>) dst(%arg6 : memref<5x128xi32, #tpu.memory_space<vmem>>)
      tpu.yield
    }) : () -> ()
    %dma_start3A = arith.constant 0 : i32
    %dma_start3A_3 = arith.constant 0 : i32
    %dma_start3A_4 = arith.constant 0 : i32
    %dma_start3A_5 = arith.constant 0 : i32
    %dma_start3A_6 = tpu.memref_slice %arg7[%dma_start3A_3, %dma_start3A_4, %dma_start3A_5] : memref<2x128x32xf32, #tpu.memory_space<vmem>> -> memref<1x128x32xf32, #tpu.memory_space<vmem>>
    %dma_start3A_7 = tpu.memref_squeeze %dma_start3A_6 : memref<1x128x32xf32, #tpu.memory_space<vmem>> -> memref<128x32xf32, #tpu.memory_space<vmem>>
    %dma_start3A_8 = arith.constant 0 : i32
    %dma_start3A_9 = tpu.memref_slice %arg6[%dma_start3A, %dma_start3A_8] : memref<5x128xi32, #tpu.memory_space<vmem>> -> memref<1x128xi32, #tpu.memory_space<vmem>>
    %dma_start3A_10 = tpu.memref_squeeze %dma_start3A_9 : memref<1x128xi32, #tpu.memory_space<vmem>> -> memref<128xi32, #tpu.memory_space<vmem>>
    %dma_start3A_11 = arith.constant 0 : i32
    %dma_start3A_12 = arith.constant 0 : i32
    %dma_start3A_13 = tpu.memref_slice %arg3[%dma_start3A_11, %dma_start3A_12] : memref<100000x32xf32, #tpu.memory_space<hbm>> -> memref<100000x32xf32, #tpu.memory_space<hbm>>
    tpu.enqueue_indirect_dma source(%dma_start3A_13 : memref<100000x32xf32, #tpu.memory_space<hbm>>) target(%dma_start3A_7 : memref<128x32xf32, #tpu.memory_space<vmem>>) offsets(%dma_start3A_10 : memref<128xi32, #tpu.memory_space<vmem>>) semaphore(%arg9 : memref<!tpu.dma_semaphore, #tpu.memory_space<semaphore_mem>>)
    %dma_start3A_14 = arith.constant 0 : i32
    %dma_start3A_15 = arith.constant 0 : i32
    %dma_start3A_16 = arith.constant 0 : i32
    %dma_start3A_17 = arith.constant 0 : i32
    %dma_start3A_18 = tpu.memref_slice %arg8[%dma_start3A_15, %dma_start3A_16, %dma_start3A_17] : memref<2x128x32xf32, #tpu.memory_space<vmem>> -> memref<1x128x32xf32, #tpu.memory_space<vmem>>
    %dma_start3A_19 = tpu.memref_squeeze %dma_start3A_18 : memref<1x128x32xf32, #tpu.memory_space<vmem>> -> memref<128x32xf32, #tpu.memory_space<vmem>>
    %dma_start3A_20 = arith.constant 0 : i32
    %dma_start3A_21 = tpu.memref_slice %arg6[%dma_start3A_14, %dma_start3A_20] : memref<5x128xi32, #tpu.memory_space<vmem>> -> memref<1x128xi32, #tpu.memory_space<vmem>>
    %dma_start3A_22 = tpu.memref_squeeze %dma_start3A_21 : memref<1x128xi32, #tpu.memory_space<vmem>> -> memref<128xi32, #tpu.memory_space<vmem>>
    %dma_start3A_23 = arith.constant 0 : i32
    %dma_start3A_24 = arith.constant 0 : i32
    %dma_start3A_25 = tpu.memref_slice %arg4[%dma_start3A_23, %dma_start3A_24] : memref<100000x32xf32, #tpu.memory_space<hbm>> -> memref<100000x32xf32, #tpu.memory_space<hbm>>
    tpu.enqueue_indirect_dma source(%dma_start3A_25 : memref<100000x32xf32, #tpu.memory_space<hbm>>) target(%dma_start3A_19 : memref<128x32xf32, #tpu.memory_space<vmem>>) offsets(%dma_start3A_22 : memref<128xi32, #tpu.memory_space<vmem>>) semaphore(%arg10 : memref<!tpu.dma_semaphore, #tpu.memory_space<semaphore_mem>>)
    %dma_start3A_26 = arith.constant 1 : i32
    %dma_start3A_27 = arith.constant 1 : i32
    %dma_start3A_28 = arith.constant 0 : i32
    %dma_start3A_29 = arith.constant 0 : i32
    %dma_start3A_30 = tpu.memref_slice %arg7[%dma_start3A_27, %dma_start3A_28, %dma_start3A_29] : memref<2x128x32xf32, #tpu.memory_space<vmem>> -> memref<1x128x32xf32, #tpu.memory_space<vmem>>
    %dma_start3A_31 = tpu.memref_squeeze %dma_start3A_30 : memref<1x128x32xf32, #tpu.memory_space<vmem>> -> memref<128x32xf32, #tpu.memory_space<vmem>>
    %dma_start3A_32 = arith.constant 0 : i32
    %dma_start3A_33 = tpu.memref_slice %arg6[%dma_start3A_26, %dma_start3A_32] : memref<5x128xi32, #tpu.memory_space<vmem>> -> memref<1x128xi32, #tpu.memory_space<vmem>>
    %dma_start3A_34 = tpu.memref_squeeze %dma_start3A_33 : memref<1x128xi32, #tpu.memory_space<vmem>> -> memref<128xi32, #tpu.memory_space<vmem>>
    %dma_start3A_35 = arith.constant 0 : i32
    %dma_start3A_36 = arith.constant 0 : i32
    %dma_start3A_37 = tpu.memref_slice %arg3[%dma_start3A_35, %dma_start3A_36] : memref<100000x32xf32, #tpu.memory_space<hbm>> -> memref<100000x32xf32, #tpu.memory_space<hbm>>
    tpu.enqueue_indirect_dma source(%dma_start3A_37 : memref<100000x32xf32, #tpu.memory_space<hbm>>) target(%dma_start3A_31 : memref<128x32xf32, #tpu.memory_space<vmem>>) offsets(%dma_start3A_34 : memref<128xi32, #tpu.memory_space<vmem>>) semaphore(%arg9 : memref<!tpu.dma_semaphore, #tpu.memory_space<semaphore_mem>>)
    %dma_start3A_38 = arith.constant 1 : i32
    %dma_start3A_39 = arith.constant 1 : i32
    %dma_start3A_40 = arith.constant 0 : i32
    %dma_start3A_41 = arith.constant 0 : i32
    %dma_start3A_42 = tpu.memref_slice %arg8[%dma_start3A_39, %dma_start3A_40, %dma_start3A_41] : memref<2x128x32xf32, #tpu.memory_space<vmem>> -> memref<1x128x32xf32, #tpu.memory_space<vmem>>
    %dma_start3A_43 = tpu.memref_squeeze %dma_start3A_42 : memref<1x128x32xf32, #tpu.memory_space<vmem>> -> memref<128x32xf32, #tpu.memory_space<vmem>>
    %dma_start3A_44 = arith.constant 0 : i32
    %dma_start3A_45 = tpu.memref_slice %arg6[%dma_start3A_38, %dma_start3A_44] : memref<5x128xi32, #tpu.memory_space<vmem>> -> memref<1x128xi32, #tpu.memory_space<vmem>>
    %dma_start3A_46 = tpu.memref_squeeze %dma_start3A_45 : memref<1x128xi32, #tpu.memory_space<vmem>> -> memref<128xi32, #tpu.memory_space<vmem>>
    %dma_start3A_47 = arith.constant 0 : i32
    %dma_start3A_48 = arith.constant 0 : i32
    %dma_start3A_49 = tpu.memref_slice %arg4[%dma_start3A_47, %dma_start3A_48] : memref<100000x32xf32, #tpu.memory_space<hbm>> -> memref<100000x32xf32, #tpu.memory_space<hbm>>
    tpu.enqueue_indirect_dma source(%dma_start3A_49 : memref<100000x32xf32, #tpu.memory_space<hbm>>) target(%dma_start3A_43 : memref<128x32xf32, #tpu.memory_space<vmem>>) offsets(%dma_start3A_46 : memref<128xi32, #tpu.memory_space<vmem>>) semaphore(%arg10 : memref<!tpu.dma_semaphore, #tpu.memory_space<semaphore_mem>>)
    %dma_wait3A = arith.constant 0 : i32
    %dma_wait3A_50 = arith.constant 0 : i32
    %dma_wait3A_51 = arith.constant 0 : i32
    %dma_wait3A_52 = arith.constant 0 : i32
    %dma_wait3A_53 = tpu.memref_slice %arg7[%dma_wait3A_50, %dma_wait3A_51, %dma_wait3A_52] : memref<2x128x32xf32, #tpu.memory_space<vmem>> -> memref<1x128x32xf32, #tpu.memory_space<vmem>>
    %dma_wait3A_54 = tpu.memref_squeeze %dma_wait3A_53 : memref<1x128x32xf32, #tpu.memory_space<vmem>> -> memref<128x32xf32, #tpu.memory_space<vmem>>
    %dma_wait3A_55 = arith.constant 0 : i32
    %dma_wait3A_56 = tpu.memref_slice %arg6[%dma_wait3A, %dma_wait3A_55] : memref<5x128xi32, #tpu.memory_space<vmem>> -> memref<1x128xi32, #tpu.memory_space<vmem>>
    %dma_wait3A_57 = tpu.memref_squeeze %dma_wait3A_56 : memref<1x128xi32, #tpu.memory_space<vmem>> -> memref<128xi32, #tpu.memory_space<vmem>>
    %dma_wait3A_58 = arith.constant 0 : i32
    %dma_wait3A_59 = arith.constant 0 : i32
    %dma_wait3A_60 = tpu.memref_slice %arg3[%dma_wait3A_58, %dma_wait3A_59] : memref<100000x32xf32, #tpu.memory_space<hbm>> -> memref<100000x32xf32, #tpu.memory_space<hbm>>
    tpu.wait_indirect_dma semaphore(%arg9 : memref<!tpu.dma_semaphore, #tpu.memory_space<semaphore_mem>>) src(%dma_wait3A_60 : memref<100000x32xf32, #tpu.memory_space<hbm>>) dst(%dma_wait3A_54 : memref<128x32xf32, #tpu.memory_space<vmem>>)
    %add3A_61 = arith.constant 0 : i32
    %add3A_62 = arith.addi %mul3A_2, %add3A_61 : i32
    %dma_start3A_63 = arith.constant 0 : i32
    %dma_start3A_64 = arith.constant 0 : i32
    %dma_start3A_65 = arith.constant 0 : i32
    %dma_start3A_66 = tpu.memref_slice %arg7[%dma_start3A_63, %dma_start3A_64, %dma_start3A_65] : memref<2x128x32xf32, #tpu.memory_space<vmem>> -> memref<1x128x32xf32, #tpu.memory_space<vmem>>
    %dma_start3A_67 = tpu.memref_squeeze %dma_start3A_66 : memref<1x128x32xf32, #tpu.memory_space<vmem>> -> memref<128x32xf32, #tpu.memory_space<vmem>>
    %dma_start3A_68 = arith.constant 0 : i32
    %dma_start3A_69 = tpu.memref_slice %arg5[%add3A_62, %dma_start3A_68] : memref<20480x64xf32, #tpu.memory_space<hbm>> -> memref<128x32xf32, #tpu.memory_space<hbm>>
    %dma_start3A_70 = arith.constant 0 : i32
    %dma_start3A_71 = tpu.memref_slice %arg5[%add3A_62, %dma_start3A_70] : memref<20480x64xf32, #tpu.memory_space<hbm>> -> memref<128x32xf32, #tpu.memory_space<hbm>>
    %dma_start3A_72 = arith.constant 0 : i32
    %dma_start3A_73 = arith.constant 0 : i32
    %dma_start3A_74 = tpu.memref_slice %arg7[%dma_start3A_63, %dma_start3A_72, %dma_start3A_73] : memref<2x128x32xf32, #tpu.memory_space<vmem>> -> memref<1x128x32xf32, #tpu.memory_space<vmem>>
    %dma_start3A_75 = tpu.memref_squeeze %dma_start3A_74 : memref<1x128x32xf32, #tpu.memory_space<vmem>> -> memref<128x32xf32, #tpu.memory_space<vmem>>
    tpu.enqueue_dma source(%dma_start3A_75 : memref<128x32xf32, #tpu.memory_space<vmem>>) target(%dma_start3A_71 : memref<128x32xf32, #tpu.memory_space<hbm>>) target_semaphore(%arg11 : memref<!tpu.dma_semaphore, #tpu.memory_space<semaphore_mem>>)
    %dma_wait3A_76 = arith.constant 0 : i32
    %dma_wait3A_77 = arith.constant 0 : i32
    %dma_wait3A_78 = arith.constant 0 : i32
    %dma_wait3A_79 = arith.constant 0 : i32
    %dma_wait3A_80 = tpu.memref_slice %arg8[%dma_wait3A_77, %dma_wait3A_78, %dma_wait3A_79] : memref<2x128x32xf32, #tpu.memory_space<vmem>> -> memref<1x128x32xf32, #tpu.memory_space<vmem>>
    %dma_wait3A_81 = tpu.memref_squeeze %dma_wait3A_80 : memref<1x128x32xf32, #tpu.memory_space<vmem>> -> memref<128x32xf32, #tpu.memory_space<vmem>>
    %dma_wait3A_82 = arith.constant 0 : i32
    %dma_wait3A_83 = tpu.memref_slice %arg6[%dma_wait3A_76, %dma_wait3A_82] : memref<5x128xi32, #tpu.memory_space<vmem>> -> memref<1x128xi32, #tpu.memory_space<vmem>>
    %dma_wait3A_84 = tpu.memref_squeeze %dma_wait3A_83 : memref<1x128xi32, #tpu.memory_space<vmem>> -> memref<128xi32, #tpu.memory_space<vmem>>
    %dma_wait3A_85 = arith.constant 0 : i32
    %dma_wait3A_86 = arith.constant 0 : i32
    %dma_wait3A_87 = tpu.memref_slice %arg4[%dma_wait3A_85, %dma_wait3A_86] : memref<100000x32xf32, #tpu.memory_space<hbm>> -> memref<100000x32xf32, #tpu.memory_space<hbm>>
    tpu.wait_indirect_dma semaphore(%arg10 : memref<!tpu.dma_semaphore, #tpu.memory_space<semaphore_mem>>) src(%dma_wait3A_87 : memref<100000x32xf32, #tpu.memory_space<hbm>>) dst(%dma_wait3A_81 : memref<128x32xf32, #tpu.memory_space<vmem>>)
    %add3A_88 = arith.constant 0 : i32
    %add3A_89 = arith.addi %mul3A_2, %add3A_88 : i32
    %dma_start3A_90 = arith.constant 0 : i32
    %dma_start3A_91 = arith.constant 0 : i32
    %dma_start3A_92 = arith.constant 0 : i32
    %dma_start3A_93 = tpu.memref_slice %arg8[%dma_start3A_90, %dma_start3A_91, %dma_start3A_92] : memref<2x128x32xf32, #tpu.memory_space<vmem>> -> memref<1x128x32xf32, #tpu.memory_space<vmem>>
    %dma_start3A_94 = tpu.memref_squeeze %dma_start3A_93 : memref<1x128x32xf32, #tpu.memory_space<vmem>> -> memref<128x32xf32, #tpu.memory_space<vmem>>
    %dma_start3A_95 = arith.constant 32 : i32
    %dma_start3A_96 = tpu.memref_slice %arg5[%add3A_89, %dma_start3A_95] : memref<20480x64xf32, #tpu.memory_space<hbm>> -> memref<128x32xf32, #tpu.memory_space<hbm>>
    %dma_start3A_97 = arith.constant 32 : i32
    %dma_start3A_98 = tpu.memref_slice %arg5[%add3A_89, %dma_start3A_97] : memref<20480x64xf32, #tpu.memory_space<hbm>> -> memref<128x32xf32, #tpu.memory_space<hbm>>
    %dma_start3A_99 = arith.constant 0 : i32
    %dma_start3A_100 = arith.constant 0 : i32
    %dma_start3A_101 = tpu.memref_slice %arg8[%dma_start3A_90, %dma_start3A_99, %dma_start3A_100] : memref<2x128x32xf32, #tpu.memory_space<vmem>> -> memref<1x128x32xf32, #tpu.memory_space<vmem>>
    %dma_start3A_102 = tpu.memref_squeeze %dma_start3A_101 : memref<1x128x32xf32, #tpu.memory_space<vmem>> -> memref<128x32xf32, #tpu.memory_space<vmem>>
    tpu.enqueue_dma source(%dma_start3A_102 : memref<128x32xf32, #tpu.memory_space<vmem>>) target(%dma_start3A_98 : memref<128x32xf32, #tpu.memory_space<hbm>>) target_semaphore(%arg11 : memref<!tpu.dma_semaphore, #tpu.memory_space<semaphore_mem>>)
    %dma_wait3A_103 = arith.constant 0 : i32
    %dma_wait3A_104 = arith.constant 0 : i32
    %dma_wait3A_105 = arith.constant 0 : i32
    %dma_wait3A_106 = tpu.memref_slice %arg7[%dma_wait3A_103, %dma_wait3A_104, %dma_wait3A_105] : memref<2x128x32xf32, #tpu.memory_space<vmem>> -> memref<1x128x32xf32, #tpu.memory_space<vmem>>
    %dma_wait3A_107 = tpu.memref_squeeze %dma_wait3A_106 : memref<1x128x32xf32, #tpu.memory_space<vmem>> -> memref<128x32xf32, #tpu.memory_space<vmem>>
    %dma_wait3A_108 = arith.constant 0 : i32
    %dma_wait3A_109 = tpu.memref_slice %arg5[%add3A_62, %dma_wait3A_108] : memref<20480x64xf32, #tpu.memory_space<hbm>> -> memref<128x32xf32, #tpu.memory_space<hbm>>
    %dma_wait3A_110 = arith.constant 0 : i32
    %dma_wait3A_111 = tpu.memref_slice %arg5[%add3A_62, %dma_wait3A_110] : memref<20480x64xf32, #tpu.memory_space<hbm>> -> memref<128x32xf32, #tpu.memory_space<hbm>>
    %dma_wait3A_112 = arith.constant 0 : i32
    %dma_wait3A_113 = arith.constant 0 : i32
    %dma_wait3A_114 = tpu.memref_slice %arg7[%dma_wait3A_103, %dma_wait3A_112, %dma_wait3A_113] : memref<2x128x32xf32, #tpu.memory_space<vmem>> -> memref<1x128x32xf32, #tpu.memory_space<vmem>>
    %dma_wait3A_115 = tpu.memref_squeeze %dma_wait3A_114 : memref<1x128x32xf32, #tpu.memory_space<vmem>> -> memref<128x32xf32, #tpu.memory_space<vmem>>
    tpu.wait_dma2 semaphore(%arg11 : memref<!tpu.dma_semaphore, #tpu.memory_space<semaphore_mem>>) src(%dma_wait3A_115 : memref<128x32xf32, #tpu.memory_space<vmem>>) dst(%dma_wait3A_111 : memref<128x32xf32, #tpu.memory_space<hbm>>)
    %dma_wait3A_116 = arith.constant 0 : i32
    %dma_wait3A_117 = arith.constant 0 : i32
    %dma_wait3A_118 = arith.constant 0 : i32
    %dma_wait3A_119 = tpu.memref_slice %arg8[%dma_wait3A_116, %dma_wait3A_117, %dma_wait3A_118] : memref<2x128x32xf32, #tpu.memory_space<vmem>> -> memref<1x128x32xf32, #tpu.memory_space<vmem>>
    %dma_wait3A_120 = tpu.memref_squeeze %dma_wait3A_119 : memref<1x128x32xf32, #tpu.memory_space<vmem>> -> memref<128x32xf32, #tpu.memory_space<vmem>>
    %dma_wait3A_121 = arith.constant 32 : i32
    %dma_wait3A_122 = tpu.memref_slice %arg5[%add3A_89, %dma_wait3A_121] : memref<20480x64xf32, #tpu.memory_space<hbm>> -> memref<128x32xf32, #tpu.memory_space<hbm>>
    %dma_wait3A_123 = arith.constant 32 : i32
    %dma_wait3A_124 = tpu.memref_slice %arg5[%add3A_89, %dma_wait3A_123] : memref<20480x64xf32, #tpu.memory_space<hbm>> -> memref<128x32xf32, #tpu.memory_space<hbm>>
    %dma_wait3A_125 = arith.constant 0 : i32
    %dma_wait3A_126 = arith.constant 0 : i32
    %dma_wait3A_127 = tpu.memref_slice %arg8[%dma_wait3A_116, %dma_wait3A_125, %dma_wait3A_126] : memref<2x128x32xf32, #tpu.memory_space<vmem>> -> memref<1x128x32xf32, #tpu.memory_space<vmem>>
    %dma_wait3A_128 = tpu.memref_squeeze %dma_wait3A_127 : memref<1x128x32xf32, #tpu.memory_space<vmem>> -> memref<128x32xf32, #tpu.memory_space<vmem>>
    tpu.wait_dma2 semaphore(%arg11 : memref<!tpu.dma_semaphore, #tpu.memory_space<semaphore_mem>>) src(%dma_wait3A_128 : memref<128x32xf32, #tpu.memory_space<vmem>>) dst(%dma_wait3A_124 : memref<128x32xf32, #tpu.memory_space<hbm>>)
    %dma_start3A_129 = arith.constant 2 : i32
    %dma_start3A_130 = arith.constant 0 : i32
    %dma_start3A_131 = arith.constant 0 : i32
    %dma_start3A_132 = arith.constant 0 : i32
    %dma_start3A_133 = tpu.memref_slice %arg7[%dma_start3A_130, %dma_start3A_131, %dma_start3A_132] : memref<2x128x32xf32, #tpu.memory_space<vmem>> -> memref<1x128x32xf32, #tpu.memory_space<vmem>>
    %dma_start3A_134 = tpu.memref_squeeze %dma_start3A_133 : memref<1x128x32xf32, #tpu.memory_space<vmem>> -> memref<128x32xf32, #tpu.memory_space<vmem>>
    %dma_start3A_135 = arith.constant 0 : i32
    %dma_start3A_136 = tpu.memref_slice %arg6[%dma_start3A_129, %dma_start3A_135] : memref<5x128xi32, #tpu.memory_space<vmem>> -> memref<1x128xi32, #tpu.memory_space<vmem>>
    %dma_start3A_137 = tpu.memref_squeeze %dma_start3A_136 : memref<1x128xi32, #tpu.memory_space<vmem>> -> memref<128xi32, #tpu.memory_space<vmem>>
    %dma_start3A_138 = arith.constant 0 : i32
    %dma_start3A_139 = arith.constant 0 : i32
    %dma_start3A_140 = tpu.memref_slice %arg3[%dma_start3A_138, %dma_start3A_139] : memref<100000x32xf32, #tpu.memory_space<hbm>> -> memref<100000x32xf32, #tpu.memory_space<hbm>>
    tpu.enqueue_indirect_dma source(%dma_start3A_140 : memref<100000x32xf32, #tpu.memory_space<hbm>>) target(%dma_start3A_134 : memref<128x32xf32, #tpu.memory_space<vmem>>) offsets(%dma_start3A_137 : memref<128xi32, #tpu.memory_space<vmem>>) semaphore(%arg9 : memref<!tpu.dma_semaphore, #tpu.memory_space<semaphore_mem>>)
    %dma_start3A_141 = arith.constant 2 : i32
    %dma_start3A_142 = arith.constant 0 : i32
    %dma_start3A_143 = arith.constant 0 : i32
    %dma_start3A_144 = arith.constant 0 : i32
    %dma_start3A_145 = tpu.memref_slice %arg8[%dma_start3A_142, %dma_start3A_143, %dma_start3A_144] : memref<2x128x32xf32, #tpu.memory_space<vmem>> -> memref<1x128x32xf32, #tpu.memory_space<vmem>>
    %dma_start3A_146 = tpu.memref_squeeze %dma_start3A_145 : memref<1x128x32xf32, #tpu.memory_space<vmem>> -> memref<128x32xf32, #tpu.memory_space<vmem>>
    %dma_start3A_147 = arith.constant 0 : i32
    %dma_start3A_148 = tpu.memref_slice %arg6[%dma_start3A_141, %dma_start3A_147] : memref<5x128xi32, #tpu.memory_space<vmem>> -> memref<1x128xi32, #tpu.memory_space<vmem>>
    %dma_start3A_149 = tpu.memref_squeeze %dma_start3A_148 : memref<1x128xi32, #tpu.memory_space<vmem>> -> memref<128xi32, #tpu.memory_space<vmem>>
    %dma_start3A_150 = arith.constant 0 : i32
    %dma_start3A_151 = arith.constant 0 : i32
    %dma_start3A_152 = tpu.memref_slice %arg4[%dma_start3A_150, %dma_start3A_151] : memref<100000x32xf32, #tpu.memory_space<hbm>> -> memref<100000x32xf32, #tpu.memory_space<hbm>>
    tpu.enqueue_indirect_dma source(%dma_start3A_152 : memref<100000x32xf32, #tpu.memory_space<hbm>>) target(%dma_start3A_146 : memref<128x32xf32, #tpu.memory_space<vmem>>) offsets(%dma_start3A_149 : memref<128xi32, #tpu.memory_space<vmem>>) semaphore(%arg10 : memref<!tpu.dma_semaphore, #tpu.memory_space<semaphore_mem>>)
    %dma_wait3A_153 = arith.constant 1 : i32
    %dma_wait3A_154 = arith.constant 1 : i32
    %dma_wait3A_155 = arith.constant 0 : i32
    %dma_wait3A_156 = arith.constant 0 : i32
    %dma_wait3A_157 = tpu.memref_slice %arg7[%dma_wait3A_154, %dma_wait3A_155, %dma_wait3A_156] : memref<2x128x32xf32, #tpu.memory_space<vmem>> -> memref<1x128x32xf32, #tpu.memory_space<vmem>>
    %dma_wait3A_158 = tpu.memref_squeeze %dma_wait3A_157 : memref<1x128x32xf32, #tpu.memory_space<vmem>> -> memref<128x32xf32, #tpu.memory_space<vmem>>
    %dma_wait3A_159 = arith.constant 0 : i32
    %dma_wait3A_160 = tpu.memref_slice %arg6[%dma_wait3A_153, %dma_wait3A_159] : memref<5x128xi32, #tpu.memory_space<vmem>> -> memref<1x128xi32, #tpu.memory_space<vmem>>
    %dma_wait3A_161 = tpu.memref_squeeze %dma_wait3A_160 : memref<1x128xi32, #tpu.memory_space<vmem>> -> memref<128xi32, #tpu.memory_space<vmem>>
    %dma_wait3A_162 = arith.constant 0 : i32
    %dma_wait3A_163 = arith.constant 0 : i32
    %dma_wait3A_164 = tpu.memref_slice %arg3[%dma_wait3A_162, %dma_wait3A_163] : memref<100000x32xf32, #tpu.memory_space<hbm>> -> memref<100000x32xf32, #tpu.memory_space<hbm>>
    tpu.wait_indirect_dma semaphore(%arg9 : memref<!tpu.dma_semaphore, #tpu.memory_space<semaphore_mem>>) src(%dma_wait3A_164 : memref<100000x32xf32, #tpu.memory_space<hbm>>) dst(%dma_wait3A_158 : memref<128x32xf32, #tpu.memory_space<vmem>>)
    %add3A_165 = arith.constant 128 : i32
    %add3A_166 = arith.addi %mul3A_2, %add3A_165 : i32
    %dma_start3A_167 = arith.constant 1 : i32
    %dma_start3A_168 = arith.constant 0 : i32
    %dma_start3A_169 = arith.constant 0 : i32
    %dma_start3A_170 = tpu.memref_slice %arg7[%dma_start3A_167, %dma_start3A_168, %dma_start3A_169] : memref<2x128x32xf32, #tpu.memory_space<vmem>> -> memref<1x128x32xf32, #tpu.memory_space<vmem>>
    %dma_start3A_171 = tpu.memref_squeeze %dma_start3A_170 : memref<1x128x32xf32, #tpu.memory_space<vmem>> -> memref<128x32xf32, #tpu.memory_space<vmem>>
    %dma_start3A_172 = arith.constant 0 : i32
    %dma_start3A_173 = tpu.memref_slice %arg5[%add3A_166, %dma_start3A_172] : memref<20480x64xf32, #tpu.memory_space<hbm>> -> memref<128x32xf32, #tpu.memory_space<hbm>>
    %dma_start3A_174 = arith.constant 0 : i32
    %dma_start3A_175 = tpu.memref_slice %arg5[%add3A_166, %dma_start3A_174] : memref<20480x64xf32, #tpu.memory_space<hbm>> -> memref<128x32xf32, #tpu.memory_space<hbm>>
    %dma_start3A_176 = arith.constant 0 : i32
    %dma_start3A_177 = arith.constant 0 : i32
    %dma_start3A_178 = tpu.memref_slice %arg7[%dma_start3A_167, %dma_start3A_176, %dma_start3A_177] : memref<2x128x32xf32, #tpu.memory_space<vmem>> -> memref<1x128x32xf32, #tpu.memory_space<vmem>>
    %dma_start3A_179 = tpu.memref_squeeze %dma_start3A_178 : memref<1x128x32xf32, #tpu.memory_space<vmem>> -> memref<128x32xf32, #tpu.memory_space<vmem>>
    tpu.enqueue_dma source(%dma_start3A_179 : memref<128x32xf32, #tpu.memory_space<vmem>>) target(%dma_start3A_175 : memref<128x32xf32, #tpu.memory_space<hbm>>) target_semaphore(%arg11 : memref<!tpu.dma_semaphore, #tpu.memory_space<semaphore_mem>>)
    %dma_wait3A_180 = arith.constant 1 : i32
    %dma_wait3A_181 = arith.constant 1 : i32
    %dma_wait3A_182 = arith.constant 0 : i32
    %dma_wait3A_183 = arith.constant 0 : i32
    %dma_wait3A_184 = tpu.memref_slice %arg8[%dma_wait3A_181, %dma_wait3A_182, %dma_wait3A_183] : memref<2x128x32xf32, #tpu.memory_space<vmem>> -> memref<1x128x32xf32, #tpu.memory_space<vmem>>
    %dma_wait3A_185 = tpu.memref_squeeze %dma_wait3A_184 : memref<1x128x32xf32, #tpu.memory_space<vmem>> -> memref<128x32xf32, #tpu.memory_space<vmem>>
    %dma_wait3A_186 = arith.constant 0 : i32
    %dma_wait3A_187 = tpu.memref_slice %arg6[%dma_wait3A_180, %dma_wait3A_186] : memref<5x128xi32, #tpu.memory_space<vmem>> -> memref<1x128xi32, #tpu.memory_space<vmem>>
    %dma_wait3A_188 = tpu.memref_squeeze %dma_wait3A_187 : memref<1x128xi32, #tpu.memory_space<vmem>> -> memref<128xi32, #tpu.memory_space<vmem>>
    %dma_wait3A_189 = arith.constant 0 : i32
    %dma_wait3A_190 = arith.constant 0 : i32
    %dma_wait3A_191 = tpu.memref_slice %arg4[%dma_wait3A_189, %dma_wait3A_190] : memref<100000x32xf32, #tpu.memory_space<hbm>> -> memref<100000x32xf32, #tpu.memory_space<hbm>>
    tpu.wait_indirect_dma semaphore(%arg10 : memref<!tpu.dma_semaphore, #tpu.memory_space<semaphore_mem>>) src(%dma_wait3A_191 : memref<100000x32xf32, #tpu.memory_space<hbm>>) dst(%dma_wait3A_185 : memref<128x32xf32, #tpu.memory_space<vmem>>)
    %add3A_192 = arith.constant 128 : i32
    %add3A_193 = arith.addi %mul3A_2, %add3A_192 : i32
    %dma_start3A_194 = arith.constant 1 : i32
    %dma_start3A_195 = arith.constant 0 : i32
    %dma_start3A_196 = arith.constant 0 : i32
    %dma_start3A_197 = tpu.memref_slice %arg8[%dma_start3A_194, %dma_start3A_195, %dma_start3A_196] : memref<2x128x32xf32, #tpu.memory_space<vmem>> -> memref<1x128x32xf32, #tpu.memory_space<vmem>>
    %dma_start3A_198 = tpu.memref_squeeze %dma_start3A_197 : memref<1x128x32xf32, #tpu.memory_space<vmem>> -> memref<128x32xf32, #tpu.memory_space<vmem>>
    %dma_start3A_199 = arith.constant 32 : i32
    %dma_start3A_200 = tpu.memref_slice %arg5[%add3A_193, %dma_start3A_199] : memref<20480x64xf32, #tpu.memory_space<hbm>> -> memref<128x32xf32, #tpu.memory_space<hbm>>
    %dma_start3A_201 = arith.constant 32 : i32
    %dma_start3A_202 = tpu.memref_slice %arg5[%add3A_193, %dma_start3A_201] : memref<20480x64xf32, #tpu.memory_space<hbm>> -> memref<128x32xf32, #tpu.memory_space<hbm>>
    %dma_start3A_203 = arith.constant 0 : i32
    %dma_start3A_204 = arith.constant 0 : i32
    %dma_start3A_205 = tpu.memref_slice %arg8[%dma_start3A_194, %dma_start3A_203, %dma_start3A_204] : memref<2x128x32xf32, #tpu.memory_space<vmem>> -> memref<1x128x32xf32, #tpu.memory_space<vmem>>
    %dma_start3A_206 = tpu.memref_squeeze %dma_start3A_205 : memref<1x128x32xf32, #tpu.memory_space<vmem>> -> memref<128x32xf32, #tpu.memory_space<vmem>>
    tpu.enqueue_dma source(%dma_start3A_206 : memref<128x32xf32, #tpu.memory_space<vmem>>) target(%dma_start3A_202 : memref<128x32xf32, #tpu.memory_space<hbm>>) target_semaphore(%arg11 : memref<!tpu.dma_semaphore, #tpu.memory_space<semaphore_mem>>)
    %dma_wait3A_207 = arith.constant 1 : i32
    %dma_wait3A_208 = arith.constant 0 : i32
    %dma_wait3A_209 = arith.constant 0 : i32
    %dma_wait3A_210 = tpu.memref_slice %arg7[%dma_wait3A_207, %dma_wait3A_208, %dma_wait3A_209] : memref<2x128x32xf32, #tpu.memory_space<vmem>> -> memref<1x128x32xf32, #tpu.memory_space<vmem>>
    %dma_wait3A_211 = tpu.memref_squeeze %dma_wait3A_210 : memref<1x128x32xf32, #tpu.memory_space<vmem>> -> memref<128x32xf32, #tpu.memory_space<vmem>>
    %dma_wait3A_212 = arith.constant 0 : i32
    %dma_wait3A_213 = tpu.memref_slice %arg5[%add3A_166, %dma_wait3A_212] : memref<20480x64xf32, #tpu.memory_space<hbm>> -> memref<128x32xf32, #tpu.memory_space<hbm>>
    %dma_wait3A_214 = arith.constant 0 : i32
    %dma_wait3A_215 = tpu.memref_slice %arg5[%add3A_166, %dma_wait3A_214] : memref<20480x64xf32, #tpu.memory_space<hbm>> -> memref<128x32xf32, #tpu.memory_space<hbm>>
    %dma_wait3A_216 = arith.constant 0 : i32
    %dma_wait3A_217 = arith.constant 0 : i32
    %dma_wait3A_218 = tpu.memref_slice %arg7[%dma_wait3A_207, %dma_wait3A_216, %dma_wait3A_217] : memref<2x128x32xf32, #tpu.memory_space<vmem>> -> memref<1x128x32xf32, #tpu.memory_space<vmem>>
    %dma_wait3A_219 = tpu.memref_squeeze %dma_wait3A_218 : memref<1x128x32xf32, #tpu.memory_space<vmem>> -> memref<128x32xf32, #tpu.memory_space<vmem>>
    tpu.wait_dma2 semaphore(%arg11 : memref<!tpu.dma_semaphore, #tpu.memory_space<semaphore_mem>>) src(%dma_wait3A_219 : memref<128x32xf32, #tpu.memory_space<vmem>>) dst(%dma_wait3A_215 : memref<128x32xf32, #tpu.memory_space<hbm>>)
    %dma_wait3A_220 = arith.constant 1 : i32
    %dma_wait3A_221 = arith.constant 0 : i32
    %dma_wait3A_222 = arith.constant 0 : i32
    %dma_wait3A_223 = tpu.memref_slice %arg8[%dma_wait3A_220, %dma_wait3A_221, %dma_wait3A_222] : memref<2x128x32xf32, #tpu.memory_space<vmem>> -> memref<1x128x32xf32, #tpu.memory_space<vmem>>
    %dma_wait3A_224 = tpu.memref_squeeze %dma_wait3A_223 : memref<1x128x32xf32, #tpu.memory_space<vmem>> -> memref<128x32xf32, #tpu.memory_space<vmem>>
    %dma_wait3A_225 = arith.constant 32 : i32
    %dma_wait3A_226 = tpu.memref_slice %arg5[%add3A_193, %dma_wait3A_225] : memref<20480x64xf32, #tpu.memory_space<hbm>> -> memref<128x32xf32, #tpu.memory_space<hbm>>
    %dma_wait3A_227 = arith.constant 32 : i32
    %dma_wait3A_228 = tpu.memref_slice %arg5[%add3A_193, %dma_wait3A_227] : memref<20480x64xf32, #tpu.memory_space<hbm>> -> memref<128x32xf32, #tpu.memory_space<hbm>>
    %dma_wait3A_229 = arith.constant 0 : i32
    %dma_wait3A_230 = arith.constant 0 : i32
    %dma_wait3A_231 = tpu.memref_slice %arg8[%dma_wait3A_220, %dma_wait3A_229, %dma_wait3A_230] : memref<2x128x32xf32, #tpu.memory_space<vmem>> -> memref<1x128x32xf32, #tpu.memory_space<vmem>>
    %dma_wait3A_232 = tpu.memref_squeeze %dma_wait3A_231 : memref<1x128x32xf32, #tpu.memory_space<vmem>> -> memref<128x32xf32, #tpu.memory_space<vmem>>
    tpu.wait_dma2 semaphore(%arg11 : memref<!tpu.dma_semaphore, #tpu.memory_space<semaphore_mem>>) src(%dma_wait3A_232 : memref<128x32xf32, #tpu.memory_space<vmem>>) dst(%dma_wait3A_228 : memref<128x32xf32, #tpu.memory_space<hbm>>)
    %dma_start3A_233 = arith.constant 3 : i32
    %dma_start3A_234 = arith.constant 1 : i32
    %dma_start3A_235 = arith.constant 0 : i32
    %dma_start3A_236 = arith.constant 0 : i32
    %dma_start3A_237 = tpu.memref_slice %arg7[%dma_start3A_234, %dma_start3A_235, %dma_start3A_236] : memref<2x128x32xf32, #tpu.memory_space<vmem>> -> memref<1x128x32xf32, #tpu.memory_space<vmem>>
    %dma_start3A_238 = tpu.memref_squeeze %dma_start3A_237 : memref<1x128x32xf32, #tpu.memory_space<vmem>> -> memref<128x32xf32, #tpu.memory_space<vmem>>
    %dma_start3A_239 = arith.constant 0 : i32
    %dma_start3A_240 = tpu.memref_slice %arg6[%dma_start3A_233, %dma_start3A_239] : memref<5x128xi32, #tpu.memory_space<vmem>> -> memref<1x128xi32, #tpu.memory_space<vmem>>
    %dma_start3A_241 = tpu.memref_squeeze %dma_start3A_240 : memref<1x128xi32, #tpu.memory_space<vmem>> -> memref<128xi32, #tpu.memory_space<vmem>>
    %dma_start3A_242 = arith.constant 0 : i32
    %dma_start3A_243 = arith.constant 0 : i32
    %dma_start3A_244 = tpu.memref_slice %arg3[%dma_start3A_242, %dma_start3A_243] : memref<100000x32xf32, #tpu.memory_space<hbm>> -> memref<100000x32xf32, #tpu.memory_space<hbm>>
    tpu.enqueue_indirect_dma source(%dma_start3A_244 : memref<100000x32xf32, #tpu.memory_space<hbm>>) target(%dma_start3A_238 : memref<128x32xf32, #tpu.memory_space<vmem>>) offsets(%dma_start3A_241 : memref<128xi32, #tpu.memory_space<vmem>>) semaphore(%arg9 : memref<!tpu.dma_semaphore, #tpu.memory_space<semaphore_mem>>)
    %dma_start3A_245 = arith.constant 3 : i32
    %dma_start3A_246 = arith.constant 1 : i32
    %dma_start3A_247 = arith.constant 0 : i32
    %dma_start3A_248 = arith.constant 0 : i32
    %dma_start3A_249 = tpu.memref_slice %arg8[%dma_start3A_246, %dma_start3A_247, %dma_start3A_248] : memref<2x128x32xf32, #tpu.memory_space<vmem>> -> memref<1x128x32xf32, #tpu.memory_space<vmem>>
    %dma_start3A_250 = tpu.memref_squeeze %dma_start3A_249 : memref<1x128x32xf32, #tpu.memory_space<vmem>> -> memref<128x32xf32, #tpu.memory_space<vmem>>
    %dma_start3A_251 = arith.constant 0 : i32
    %dma_start3A_252 = tpu.memref_slice %arg6[%dma_start3A_245, %dma_start3A_251] : memref<5x128xi32, #tpu.memory_space<vmem>> -> memref<1x128xi32, #tpu.memory_space<vmem>>
    %dma_start3A_253 = tpu.memref_squeeze %dma_start3A_252 : memref<1x128xi32, #tpu.memory_space<vmem>> -> memref<128xi32, #tpu.memory_space<vmem>>
    %dma_start3A_254 = arith.constant 0 : i32
    %dma_start3A_255 = arith.constant 0 : i32
    %dma_start3A_256 = tpu.memref_slice %arg4[%dma_start3A_254, %dma_start3A_255] : memref<100000x32xf32, #tpu.memory_space<hbm>> -> memref<100000x32xf32, #tpu.memory_space<hbm>>
    tpu.enqueue_indirect_dma source(%dma_start3A_256 : memref<100000x32xf32, #tpu.memory_space<hbm>>) target(%dma_start3A_250 : memref<128x32xf32, #tpu.memory_space<vmem>>) offsets(%dma_start3A_253 : memref<128xi32, #tpu.memory_space<vmem>>) semaphore(%arg10 : memref<!tpu.dma_semaphore, #tpu.memory_space<semaphore_mem>>)
    %dma_wait3A_257 = arith.constant 2 : i32
    %dma_wait3A_258 = arith.constant 0 : i32
    %dma_wait3A_259 = arith.constant 0 : i32
    %dma_wait3A_260 = arith.constant 0 : i32
    %dma_wait3A_261 = tpu.memref_slice %arg7[%dma_wait3A_258, %dma_wait3A_259, %dma_wait3A_260] : memref<2x128x32xf32, #tpu.memory_space<vmem>> -> memref<1x128x32xf32, #tpu.memory_space<vmem>>
    %dma_wait3A_262 = tpu.memref_squeeze %dma_wait3A_261 : memref<1x128x32xf32, #tpu.memory_space<vmem>> -> memref<128x32xf32, #tpu.memory_space<vmem>>
    %dma_wait3A_263 = arith.constant 0 : i32
    %dma_wait3A_264 = tpu.memref_slice %arg6[%dma_wait3A_257, %dma_wait3A_263] : memref<5x128xi32, #tpu.memory_space<vmem>> -> memref<1x128xi32, #tpu.memory_space<vmem>>
    %dma_wait3A_265 = tpu.memref_squeeze %dma_wait3A_264 : memref<1x128xi32, #tpu.memory_space<vmem>> -> memref<128xi32, #tpu.memory_space<vmem>>
    %dma_wait3A_266 = arith.constant 0 : i32
    %dma_wait3A_267 = arith.constant 0 : i32
    %dma_wait3A_268 = tpu.memref_slice %arg3[%dma_wait3A_266, %dma_wait3A_267] : memref<100000x32xf32, #tpu.memory_space<hbm>> -> memref<100000x32xf32, #tpu.memory_space<hbm>>
    tpu.wait_indirect_dma semaphore(%arg9 : memref<!tpu.dma_semaphore, #tpu.memory_space<semaphore_mem>>) src(%dma_wait3A_268 : memref<100000x32xf32, #tpu.memory_space<hbm>>) dst(%dma_wait3A_262 : memref<128x32xf32, #tpu.memory_space<vmem>>)
    %add3A_269 = arith.constant 256 : i32
    %add3A_270 = arith.addi %mul3A_2, %add3A_269 : i32
    %dma_start3A_271 = arith.constant 0 : i32
    %dma_start3A_272 = arith.constant 0 : i32
    %dma_start3A_273 = arith.constant 0 : i32
    %dma_start3A_274 = tpu.memref_slice %arg7[%dma_start3A_271, %dma_start3A_272, %dma_start3A_273] : memref<2x128x32xf32, #tpu.memory_space<vmem>> -> memref<1x128x32xf32, #tpu.memory_space<vmem>>
    %dma_start3A_275 = tpu.memref_squeeze %dma_start3A_274 : memref<1x128x32xf32, #tpu.memory_space<vmem>> -> memref<128x32xf32, #tpu.memory_space<vmem>>
    %dma_start3A_276 = arith.constant 0 : i32
    %dma_start3A_277 = tpu.memref_slice %arg5[%add3A_270, %dma_start3A_276] : memref<20480x64xf32, #tpu.memory_space<hbm>> -> memref<128x32xf32, #tpu.memory_space<hbm>>
    %dma_start3A_278 = arith.constant 0 : i32
    %dma_start3A_279 = tpu.memref_slice %arg5[%add3A_270, %dma_start3A_278] : memref<20480x64xf32, #tpu.memory_space<hbm>> -> memref<128x32xf32, #tpu.memory_space<hbm>>
    %dma_start3A_280 = arith.constant 0 : i32
    %dma_start3A_281 = arith.constant 0 : i32
    %dma_start3A_282 = tpu.memref_slice %arg7[%dma_start3A_271, %dma_start3A_280, %dma_start3A_281] : memref<2x128x32xf32, #tpu.memory_space<vmem>> -> memref<1x128x32xf32, #tpu.memory_space<vmem>>
    %dma_start3A_283 = tpu.memref_squeeze %dma_start3A_282 : memref<1x128x32xf32, #tpu.memory_space<vmem>> -> memref<128x32xf32, #tpu.memory_space<vmem>>
    tpu.enqueue_dma source(%dma_start3A_283 : memref<128x32xf32, #tpu.memory_space<vmem>>) target(%dma_start3A_279 : memref<128x32xf32, #tpu.memory_space<hbm>>) target_semaphore(%arg11 : memref<!tpu.dma_semaphore, #tpu.memory_space<semaphore_mem>>)
    %dma_wait3A_284 = arith.constant 2 : i32
    %dma_wait3A_285 = arith.constant 0 : i32
    %dma_wait3A_286 = arith.constant 0 : i32
    %dma_wait3A_287 = arith.constant 0 : i32
    %dma_wait3A_288 = tpu.memref_slice %arg8[%dma_wait3A_285, %dma_wait3A_286, %dma_wait3A_287] : memref<2x128x32xf32, #tpu.memory_space<vmem>> -> memref<1x128x32xf32, #tpu.memory_space<vmem>>
    %dma_wait3A_289 = tpu.memref_squeeze %dma_wait3A_288 : memref<1x128x32xf32, #tpu.memory_space<vmem>> -> memref<128x32xf32, #tpu.memory_space<vmem>>
    %dma_wait3A_290 = arith.constant 0 : i32
    %dma_wait3A_291 = tpu.memref_slice %arg6[%dma_wait3A_284, %dma_wait3A_290] : memref<5x128xi32, #tpu.memory_space<vmem>> -> memref<1x128xi32, #tpu.memory_space<vmem>>
    %dma_wait3A_292 = tpu.memref_squeeze %dma_wait3A_291 : memref<1x128xi32, #tpu.memory_space<vmem>> -> memref<128xi32, #tpu.memory_space<vmem>>
    %dma_wait3A_293 = arith.constant 0 : i32
    %dma_wait3A_294 = arith.constant 0 : i32
    %dma_wait3A_295 = tpu.memref_slice %arg4[%dma_wait3A_293, %dma_wait3A_294] : memref<100000x32xf32, #tpu.memory_space<hbm>> -> memref<100000x32xf32, #tpu.memory_space<hbm>>
    tpu.wait_indirect_dma semaphore(%arg10 : memref<!tpu.dma_semaphore, #tpu.memory_space<semaphore_mem>>) src(%dma_wait3A_295 : memref<100000x32xf32, #tpu.memory_space<hbm>>) dst(%dma_wait3A_289 : memref<128x32xf32, #tpu.memory_space<vmem>>)
    %add3A_296 = arith.constant 256 : i32
    %add3A_297 = arith.addi %mul3A_2, %add3A_296 : i32
    %dma_start3A_298 = arith.constant 0 : i32
    %dma_start3A_299 = arith.constant 0 : i32
    %dma_start3A_300 = arith.constant 0 : i32
    %dma_start3A_301 = tpu.memref_slice %arg8[%dma_start3A_298, %dma_start3A_299, %dma_start3A_300] : memref<2x128x32xf32, #tpu.memory_space<vmem>> -> memref<1x128x32xf32, #tpu.memory_space<vmem>>
    %dma_start3A_302 = tpu.memref_squeeze %dma_start3A_301 : memref<1x128x32xf32, #tpu.memory_space<vmem>> -> memref<128x32xf32, #tpu.memory_space<vmem>>
    %dma_start3A_303 = arith.constant 32 : i32
    %dma_start3A_304 = tpu.memref_slice %arg5[%add3A_297, %dma_start3A_303] : memref<20480x64xf32, #tpu.memory_space<hbm>> -> memref<128x32xf32, #tpu.memory_space<hbm>>
    %dma_start3A_305 = arith.constant 32 : i32
    %dma_start3A_306 = tpu.memref_slice %arg5[%add3A_297, %dma_start3A_305] : memref<20480x64xf32, #tpu.memory_space<hbm>> -> memref<128x32xf32, #tpu.memory_space<hbm>>
    %dma_start3A_307 = arith.constant 0 : i32
    %dma_start3A_308 = arith.constant 0 : i32
    %dma_start3A_309 = tpu.memref_slice %arg8[%dma_start3A_298, %dma_start3A_307, %dma_start3A_308] : memref<2x128x32xf32, #tpu.memory_space<vmem>> -> memref<1x128x32xf32, #tpu.memory_space<vmem>>
    %dma_start3A_310 = tpu.memref_squeeze %dma_start3A_309 : memref<1x128x32xf32, #tpu.memory_space<vmem>> -> memref<128x32xf32, #tpu.memory_space<vmem>>
    tpu.enqueue_dma source(%dma_start3A_310 : memref<128x32xf32, #tpu.memory_space<vmem>>) target(%dma_start3A_306 : memref<128x32xf32, #tpu.memory_space<hbm>>) target_semaphore(%arg11 : memref<!tpu.dma_semaphore, #tpu.memory_space<semaphore_mem>>)
    %dma_wait3A_311 = arith.constant 0 : i32
    %dma_wait3A_312 = arith.constant 0 : i32
    %dma_wait3A_313 = arith.constant 0 : i32
    %dma_wait3A_314 = tpu.memref_slice %arg7[%dma_wait3A_311, %dma_wait3A_312, %dma_wait3A_313] : memref<2x128x32xf32, #tpu.memory_space<vmem>> -> memref<1x128x32xf32, #tpu.memory_space<vmem>>
    %dma_wait3A_315 = tpu.memref_squeeze %dma_wait3A_314 : memref<1x128x32xf32, #tpu.memory_space<vmem>> -> memref<128x32xf32, #tpu.memory_space<vmem>>
    %dma_wait3A_316 = arith.constant 0 : i32
    %dma_wait3A_317 = tpu.memref_slice %arg5[%add3A_270, %dma_wait3A_316] : memref<20480x64xf32, #tpu.memory_space<hbm>> -> memref<128x32xf32, #tpu.memory_space<hbm>>
    %dma_wait3A_318 = arith.constant 0 : i32
    %dma_wait3A_319 = tpu.memref_slice %arg5[%add3A_270, %dma_wait3A_318] : memref<20480x64xf32, #tpu.memory_space<hbm>> -> memref<128x32xf32, #tpu.memory_space<hbm>>
    %dma_wait3A_320 = arith.constant 0 : i32
    %dma_wait3A_321 = arith.constant 0 : i32
    %dma_wait3A_322 = tpu.memref_slice %arg7[%dma_wait3A_311, %dma_wait3A_320, %dma_wait3A_321] : memref<2x128x32xf32, #tpu.memory_space<vmem>> -> memref<1x128x32xf32, #tpu.memory_space<vmem>>
    %dma_wait3A_323 = tpu.memref_squeeze %dma_wait3A_322 : memref<1x128x32xf32, #tpu.memory_space<vmem>> -> memref<128x32xf32, #tpu.memory_space<vmem>>
    tpu.wait_dma2 semaphore(%arg11 : memref<!tpu.dma_semaphore, #tpu.memory_space<semaphore_mem>>) src(%dma_wait3A_323 : memref<128x32xf32, #tpu.memory_space<vmem>>) dst(%dma_wait3A_319 : memref<128x32xf32, #tpu.memory_space<hbm>>)
    %dma_wait3A_324 = arith.constant 0 : i32
    %dma_wait3A_325 = arith.constant 0 : i32
    %dma_wait3A_326 = arith.constant 0 : i32
    %dma_wait3A_327 = tpu.memref_slice %arg8[%dma_wait3A_324, %dma_wait3A_325, %dma_wait3A_326] : memref<2x128x32xf32, #tpu.memory_space<vmem>> -> memref<1x128x32xf32, #tpu.memory_space<vmem>>
    %dma_wait3A_328 = tpu.memref_squeeze %dma_wait3A_327 : memref<1x128x32xf32, #tpu.memory_space<vmem>> -> memref<128x32xf32, #tpu.memory_space<vmem>>
    %dma_wait3A_329 = arith.constant 32 : i32
    %dma_wait3A_330 = tpu.memref_slice %arg5[%add3A_297, %dma_wait3A_329] : memref<20480x64xf32, #tpu.memory_space<hbm>> -> memref<128x32xf32, #tpu.memory_space<hbm>>
    %dma_wait3A_331 = arith.constant 32 : i32
    %dma_wait3A_332 = tpu.memref_slice %arg5[%add3A_297, %dma_wait3A_331] : memref<20480x64xf32, #tpu.memory_space<hbm>> -> memref<128x32xf32, #tpu.memory_space<hbm>>
    %dma_wait3A_333 = arith.constant 0 : i32
    %dma_wait3A_334 = arith.constant 0 : i32
    %dma_wait3A_335 = tpu.memref_slice %arg8[%dma_wait3A_324, %dma_wait3A_333, %dma_wait3A_334] : memref<2x128x32xf32, #tpu.memory_space<vmem>> -> memref<1x128x32xf32, #tpu.memory_space<vmem>>
    %dma_wait3A_336 = tpu.memref_squeeze %dma_wait3A_335 : memref<1x128x32xf32, #tpu.memory_space<vmem>> -> memref<128x32xf32, #tpu.memory_space<vmem>>
    tpu.wait_dma2 semaphore(%arg11 : memref<!tpu.dma_semaphore, #tpu.memory_space<semaphore_mem>>) src(%dma_wait3A_336 : memref<128x32xf32, #tpu.memory_space<vmem>>) dst(%dma_wait3A_332 : memref<128x32xf32, #tpu.memory_space<hbm>>)
    %dma_start3A_337 = arith.constant 4 : i32
    %dma_start3A_338 = arith.constant 0 : i32
    %dma_start3A_339 = arith.constant 0 : i32
    %dma_start3A_340 = arith.constant 0 : i32
    %dma_start3A_341 = tpu.memref_slice %arg7[%dma_start3A_338, %dma_start3A_339, %dma_start3A_340] : memref<2x128x32xf32, #tpu.memory_space<vmem>> -> memref<1x128x32xf32, #tpu.memory_space<vmem>>
    %dma_start3A_342 = tpu.memref_squeeze %dma_start3A_341 : memref<1x128x32xf32, #tpu.memory_space<vmem>> -> memref<128x32xf32, #tpu.memory_space<vmem>>
    %dma_start3A_343 = arith.constant 0 : i32
    %dma_start3A_344 = tpu.memref_slice %arg6[%dma_start3A_337, %dma_start3A_343] : memref<5x128xi32, #tpu.memory_space<vmem>> -> memref<1x128xi32, #tpu.memory_space<vmem>>
    %dma_start3A_345 = tpu.memref_squeeze %dma_start3A_344 : memref<1x128xi32, #tpu.memory_space<vmem>> -> memref<128xi32, #tpu.memory_space<vmem>>
    %dma_start3A_346 = arith.constant 0 : i32
    %dma_start3A_347 = arith.constant 0 : i32
    %dma_start3A_348 = tpu.memref_slice %arg3[%dma_start3A_346, %dma_start3A_347] : memref<100000x32xf32, #tpu.memory_space<hbm>> -> memref<100000x32xf32, #tpu.memory_space<hbm>>
    tpu.enqueue_indirect_dma source(%dma_start3A_348 : memref<100000x32xf32, #tpu.memory_space<hbm>>) target(%dma_start3A_342 : memref<128x32xf32, #tpu.memory_space<vmem>>) offsets(%dma_start3A_345 : memref<128xi32, #tpu.memory_space<vmem>>) semaphore(%arg9 : memref<!tpu.dma_semaphore, #tpu.memory_space<semaphore_mem>>)
    %dma_start3A_349 = arith.constant 4 : i32
    %dma_start3A_350 = arith.constant 0 : i32
    %dma_start3A_351 = arith.constant 0 : i32
    %dma_start3A_352 = arith.constant 0 : i32
    %dma_start3A_353 = tpu.memref_slice %arg8[%dma_start3A_350, %dma_start3A_351, %dma_start3A_352] : memref<2x128x32xf32, #tpu.memory_space<vmem>> -> memref<1x128x32xf32, #tpu.memory_space<vmem>>
    %dma_start3A_354 = tpu.memref_squeeze %dma_start3A_353 : memref<1x128x32xf32, #tpu.memory_space<vmem>> -> memref<128x32xf32, #tpu.memory_space<vmem>>
    %dma_start3A_355 = arith.constant 0 : i32
    %dma_start3A_356 = tpu.memref_slice %arg6[%dma_start3A_349, %dma_start3A_355] : memref<5x128xi32, #tpu.memory_space<vmem>> -> memref<1x128xi32, #tpu.memory_space<vmem>>
    %dma_start3A_357 = tpu.memref_squeeze %dma_start3A_356 : memref<1x128xi32, #tpu.memory_space<vmem>> -> memref<128xi32, #tpu.memory_space<vmem>>
    %dma_start3A_358 = arith.constant 0 : i32
    %dma_start3A_359 = arith.constant 0 : i32
    %dma_start3A_360 = tpu.memref_slice %arg4[%dma_start3A_358, %dma_start3A_359] : memref<100000x32xf32, #tpu.memory_space<hbm>> -> memref<100000x32xf32, #tpu.memory_space<hbm>>
    tpu.enqueue_indirect_dma source(%dma_start3A_360 : memref<100000x32xf32, #tpu.memory_space<hbm>>) target(%dma_start3A_354 : memref<128x32xf32, #tpu.memory_space<vmem>>) offsets(%dma_start3A_357 : memref<128xi32, #tpu.memory_space<vmem>>) semaphore(%arg10 : memref<!tpu.dma_semaphore, #tpu.memory_space<semaphore_mem>>)
    %dma_wait3A_361 = arith.constant 3 : i32
    %dma_wait3A_362 = arith.constant 1 : i32
    %dma_wait3A_363 = arith.constant 0 : i32
    %dma_wait3A_364 = arith.constant 0 : i32
    %dma_wait3A_365 = tpu.memref_slice %arg7[%dma_wait3A_362, %dma_wait3A_363, %dma_wait3A_364] : memref<2x128x32xf32, #tpu.memory_space<vmem>> -> memref<1x128x32xf32, #tpu.memory_space<vmem>>
    %dma_wait3A_366 = tpu.memref_squeeze %dma_wait3A_365 : memref<1x128x32xf32, #tpu.memory_space<vmem>> -> memref<128x32xf32, #tpu.memory_space<vmem>>
    %dma_wait3A_367 = arith.constant 0 : i32
    %dma_wait3A_368 = tpu.memref_slice %arg6[%dma_wait3A_361, %dma_wait3A_367] : memref<5x128xi32, #tpu.memory_space<vmem>> -> memref<1x128xi32, #tpu.memory_space<vmem>>
    %dma_wait3A_369 = tpu.memref_squeeze %dma_wait3A_368 : memref<1x128xi32, #tpu.memory_space<vmem>> -> memref<128xi32, #tpu.memory_space<vmem>>
    %dma_wait3A_370 = arith.constant 0 : i32
    %dma_wait3A_371 = arith.constant 0 : i32
    %dma_wait3A_372 = tpu.memref_slice %arg3[%dma_wait3A_370, %dma_wait3A_371] : memref<100000x32xf32, #tpu.memory_space<hbm>> -> memref<100000x32xf32, #tpu.memory_space<hbm>>
    tpu.wait_indirect_dma semaphore(%arg9 : memref<!tpu.dma_semaphore, #tpu.memory_space<semaphore_mem>>) src(%dma_wait3A_372 : memref<100000x32xf32, #tpu.memory_space<hbm>>) dst(%dma_wait3A_366 : memref<128x32xf32, #tpu.memory_space<vmem>>)
    %add3A_373 = arith.constant 384 : i32
    %add3A_374 = arith.addi %mul3A_2, %add3A_373 : i32
    %dma_start3A_375 = arith.constant 1 : i32
    %dma_start3A_376 = arith.constant 0 : i32
    %dma_start3A_377 = arith.constant 0 : i32
    %dma_start3A_378 = tpu.memref_slice %arg7[%dma_start3A_375, %dma_start3A_376, %dma_start3A_377] : memref<2x128x32xf32, #tpu.memory_space<vmem>> -> memref<1x128x32xf32, #tpu.memory_space<vmem>>
    %dma_start3A_379 = tpu.memref_squeeze %dma_start3A_378 : memref<1x128x32xf32, #tpu.memory_space<vmem>> -> memref<128x32xf32, #tpu.memory_space<vmem>>
    %dma_start3A_380 = arith.constant 0 : i32
    %dma_start3A_381 = tpu.memref_slice %arg5[%add3A_374, %dma_start3A_380] : memref<20480x64xf32, #tpu.memory_space<hbm>> -> memref<128x32xf32, #tpu.memory_space<hbm>>
    %dma_start3A_382 = arith.constant 0 : i32
    %dma_start3A_383 = tpu.memref_slice %arg5[%add3A_374, %dma_start3A_382] : memref<20480x64xf32, #tpu.memory_space<hbm>> -> memref<128x32xf32, #tpu.memory_space<hbm>>
    %dma_start3A_384 = arith.constant 0 : i32
    %dma_start3A_385 = arith.constant 0 : i32
    %dma_start3A_386 = tpu.memref_slice %arg7[%dma_start3A_375, %dma_start3A_384, %dma_start3A_385] : memref<2x128x32xf32, #tpu.memory_space<vmem>> -> memref<1x128x32xf32, #tpu.memory_space<vmem>>
    %dma_start3A_387 = tpu.memref_squeeze %dma_start3A_386 : memref<1x128x32xf32, #tpu.memory_space<vmem>> -> memref<128x32xf32, #tpu.memory_space<vmem>>
    tpu.enqueue_dma source(%dma_start3A_387 : memref<128x32xf32, #tpu.memory_space<vmem>>) target(%dma_start3A_383 : memref<128x32xf32, #tpu.memory_space<hbm>>) target_semaphore(%arg11 : memref<!tpu.dma_semaphore, #tpu.memory_space<semaphore_mem>>)
    %dma_wait3A_388 = arith.constant 3 : i32
    %dma_wait3A_389 = arith.constant 1 : i32
    %dma_wait3A_390 = arith.constant 0 : i32
    %dma_wait3A_391 = arith.constant 0 : i32
    %dma_wait3A_392 = tpu.memref_slice %arg8[%dma_wait3A_389, %dma_wait3A_390, %dma_wait3A_391] : memref<2x128x32xf32, #tpu.memory_space<vmem>> -> memref<1x128x32xf32, #tpu.memory_space<vmem>>
    %dma_wait3A_393 = tpu.memref_squeeze %dma_wait3A_392 : memref<1x128x32xf32, #tpu.memory_space<vmem>> -> memref<128x32xf32, #tpu.memory_space<vmem>>
    %dma_wait3A_394 = arith.constant 0 : i32
    %dma_wait3A_395 = tpu.memref_slice %arg6[%dma_wait3A_388, %dma_wait3A_394] : memref<5x128xi32, #tpu.memory_space<vmem>> -> memref<1x128xi32, #tpu.memory_space<vmem>>
    %dma_wait3A_396 = tpu.memref_squeeze %dma_wait3A_395 : memref<1x128xi32, #tpu.memory_space<vmem>> -> memref<128xi32, #tpu.memory_space<vmem>>
    %dma_wait3A_397 = arith.constant 0 : i32
    %dma_wait3A_398 = arith.constant 0 : i32
    %dma_wait3A_399 = tpu.memref_slice %arg4[%dma_wait3A_397, %dma_wait3A_398] : memref<100000x32xf32, #tpu.memory_space<hbm>> -> memref<100000x32xf32, #tpu.memory_space<hbm>>
    tpu.wait_indirect_dma semaphore(%arg10 : memref<!tpu.dma_semaphore, #tpu.memory_space<semaphore_mem>>) src(%dma_wait3A_399 : memref<100000x32xf32, #tpu.memory_space<hbm>>) dst(%dma_wait3A_393 : memref<128x32xf32, #tpu.memory_space<vmem>>)
    %add3A_400 = arith.constant 384 : i32
    %add3A_401 = arith.addi %mul3A_2, %add3A_400 : i32
    %dma_start3A_402 = arith.constant 1 : i32
    %dma_start3A_403 = arith.constant 0 : i32
    %dma_start3A_404 = arith.constant 0 : i32
    %dma_start3A_405 = tpu.memref_slice %arg8[%dma_start3A_402, %dma_start3A_403, %dma_start3A_404] : memref<2x128x32xf32, #tpu.memory_space<vmem>> -> memref<1x128x32xf32, #tpu.memory_space<vmem>>
    %dma_start3A_406 = tpu.memref_squeeze %dma_start3A_405 : memref<1x128x32xf32, #tpu.memory_space<vmem>> -> memref<128x32xf32, #tpu.memory_space<vmem>>
    %dma_start3A_407 = arith.constant 32 : i32
    %dma_start3A_408 = tpu.memref_slice %arg5[%add3A_401, %dma_start3A_407] : memref<20480x64xf32, #tpu.memory_space<hbm>> -> memref<128x32xf32, #tpu.memory_space<hbm>>
    %dma_start3A_409 = arith.constant 32 : i32
    %dma_start3A_410 = tpu.memref_slice %arg5[%add3A_401, %dma_start3A_409] : memref<20480x64xf32, #tpu.memory_space<hbm>> -> memref<128x32xf32, #tpu.memory_space<hbm>>
    %dma_start3A_411 = arith.constant 0 : i32
    %dma_start3A_412 = arith.constant 0 : i32
    %dma_start3A_413 = tpu.memref_slice %arg8[%dma_start3A_402, %dma_start3A_411, %dma_start3A_412] : memref<2x128x32xf32, #tpu.memory_space<vmem>> -> memref<1x128x32xf32, #tpu.memory_space<vmem>>
    %dma_start3A_414 = tpu.memref_squeeze %dma_start3A_413 : memref<1x128x32xf32, #tpu.memory_space<vmem>> -> memref<128x32xf32, #tpu.memory_space<vmem>>
    tpu.enqueue_dma source(%dma_start3A_414 : memref<128x32xf32, #tpu.memory_space<vmem>>) target(%dma_start3A_410 : memref<128x32xf32, #tpu.memory_space<hbm>>) target_semaphore(%arg11 : memref<!tpu.dma_semaphore, #tpu.memory_space<semaphore_mem>>)
    %dma_wait3A_415 = arith.constant 4 : i32
    %dma_wait3A_416 = arith.constant 0 : i32
    %dma_wait3A_417 = arith.constant 0 : i32
    %dma_wait3A_418 = arith.constant 0 : i32
    %dma_wait3A_419 = tpu.memref_slice %arg7[%dma_wait3A_416, %dma_wait3A_417, %dma_wait3A_418] : memref<2x128x32xf32, #tpu.memory_space<vmem>> -> memref<1x128x32xf32, #tpu.memory_space<vmem>>
    %dma_wait3A_420 = tpu.memref_squeeze %dma_wait3A_419 : memref<1x128x32xf32, #tpu.memory_space<vmem>> -> memref<128x32xf32, #tpu.memory_space<vmem>>
    %dma_wait3A_421 = arith.constant 0 : i32
    %dma_wait3A_422 = tpu.memref_slice %arg6[%dma_wait3A_415, %dma_wait3A_421] : memref<5x128xi32, #tpu.memory_space<vmem>> -> memref<1x128xi32, #tpu.memory_space<vmem>>
    %dma_wait3A_423 = tpu.memref_squeeze %dma_wait3A_422 : memref<1x128xi32, #tpu.memory_space<vmem>> -> memref<128xi32, #tpu.memory_space<vmem>>
    %dma_wait3A_424 = arith.constant 0 : i32
    %dma_wait3A_425 = arith.constant 0 : i32
    %dma_wait3A_426 = tpu.memref_slice %arg3[%dma_wait3A_424, %dma_wait3A_425] : memref<100000x32xf32, #tpu.memory_space<hbm>> -> memref<100000x32xf32, #tpu.memory_space<hbm>>
    tpu.wait_indirect_dma semaphore(%arg9 : memref<!tpu.dma_semaphore, #tpu.memory_space<semaphore_mem>>) src(%dma_wait3A_426 : memref<100000x32xf32, #tpu.memory_space<hbm>>) dst(%dma_wait3A_420 : memref<128x32xf32, #tpu.memory_space<vmem>>)
    %add3A_427 = arith.constant 512 : i32
    %add3A_428 = arith.addi %mul3A_2, %add3A_427 : i32
    %dma_start3A_429 = arith.constant 0 : i32
    %dma_start3A_430 = arith.constant 0 : i32
    %dma_start3A_431 = arith.constant 0 : i32
    %dma_start3A_432 = tpu.memref_slice %arg7[%dma_start3A_429, %dma_start3A_430, %dma_start3A_431] : memref<2x128x32xf32, #tpu.memory_space<vmem>> -> memref<1x128x32xf32, #tpu.memory_space<vmem>>
    %dma_start3A_433 = tpu.memref_squeeze %dma_start3A_432 : memref<1x128x32xf32, #tpu.memory_space<vmem>> -> memref<128x32xf32, #tpu.memory_space<vmem>>
    %dma_start3A_434 = arith.constant 0 : i32
    %dma_start3A_435 = tpu.memref_slice %arg5[%add3A_428, %dma_start3A_434] : memref<20480x64xf32, #tpu.memory_space<hbm>> -> memref<128x32xf32, #tpu.memory_space<hbm>>
    %dma_start3A_436 = arith.constant 0 : i32
    %dma_start3A_437 = tpu.memref_slice %arg5[%add3A_428, %dma_start3A_436] : memref<20480x64xf32, #tpu.memory_space<hbm>> -> memref<128x32xf32, #tpu.memory_space<hbm>>
    %dma_start3A_438 = arith.constant 0 : i32
    %dma_start3A_439 = arith.constant 0 : i32
    %dma_start3A_440 = tpu.memref_slice %arg7[%dma_start3A_429, %dma_start3A_438, %dma_start3A_439] : memref<2x128x32xf32, #tpu.memory_space<vmem>> -> memref<1x128x32xf32, #tpu.memory_space<vmem>>
    %dma_start3A_441 = tpu.memref_squeeze %dma_start3A_440 : memref<1x128x32xf32, #tpu.memory_space<vmem>> -> memref<128x32xf32, #tpu.memory_space<vmem>>
    tpu.enqueue_dma source(%dma_start3A_441 : memref<128x32xf32, #tpu.memory_space<vmem>>) target(%dma_start3A_437 : memref<128x32xf32, #tpu.memory_space<hbm>>) target_semaphore(%arg11 : memref<!tpu.dma_semaphore, #tpu.memory_space<semaphore_mem>>)
    %dma_wait3A_442 = arith.constant 4 : i32
    %dma_wait3A_443 = arith.constant 0 : i32
    %dma_wait3A_444 = arith.constant 0 : i32
    %dma_wait3A_445 = arith.constant 0 : i32
    %dma_wait3A_446 = tpu.memref_slice %arg8[%dma_wait3A_443, %dma_wait3A_444, %dma_wait3A_445] : memref<2x128x32xf32, #tpu.memory_space<vmem>> -> memref<1x128x32xf32, #tpu.memory_space<vmem>>
    %dma_wait3A_447 = tpu.memref_squeeze %dma_wait3A_446 : memref<1x128x32xf32, #tpu.memory_space<vmem>> -> memref<128x32xf32, #tpu.memory_space<vmem>>
    %dma_wait3A_448 = arith.constant 0 : i32
    %dma_wait3A_449 = tpu.memref_slice %arg6[%dma_wait3A_442, %dma_wait3A_448] : memref<5x128xi32, #tpu.memory_space<vmem>> -> memref<1x128xi32, #tpu.memory_space<vmem>>
    %dma_wait3A_450 = tpu.memref_squeeze %dma_wait3A_449 : memref<1x128xi32, #tpu.memory_space<vmem>> -> memref<128xi32, #tpu.memory_space<vmem>>
    %dma_wait3A_451 = arith.constant 0 : i32
    %dma_wait3A_452 = arith.constant 0 : i32
    %dma_wait3A_453 = tpu.memref_slice %arg4[%dma_wait3A_451, %dma_wait3A_452] : memref<100000x32xf32, #tpu.memory_space<hbm>> -> memref<100000x32xf32, #tpu.memory_space<hbm>>
    tpu.wait_indirect_dma semaphore(%arg10 : memref<!tpu.dma_semaphore, #tpu.memory_space<semaphore_mem>>) src(%dma_wait3A_453 : memref<100000x32xf32, #tpu.memory_space<hbm>>) dst(%dma_wait3A_447 : memref<128x32xf32, #tpu.memory_space<vmem>>)
    %add3A_454 = arith.constant 512 : i32
    %add3A_455 = arith.addi %mul3A_2, %add3A_454 : i32
    %dma_start3A_456 = arith.constant 0 : i32
    %dma_start3A_457 = arith.constant 0 : i32
    %dma_start3A_458 = arith.constant 0 : i32
    %dma_start3A_459 = tpu.memref_slice %arg8[%dma_start3A_456, %dma_start3A_457, %dma_start3A_458] : memref<2x128x32xf32, #tpu.memory_space<vmem>> -> memref<1x128x32xf32, #tpu.memory_space<vmem>>
    %dma_start3A_460 = tpu.memref_squeeze %dma_start3A_459 : memref<1x128x32xf32, #tpu.memory_space<vmem>> -> memref<128x32xf32, #tpu.memory_space<vmem>>
    %dma_start3A_461 = arith.constant 32 : i32
    %dma_start3A_462 = tpu.memref_slice %arg5[%add3A_455, %dma_start3A_461] : memref<20480x64xf32, #tpu.memory_space<hbm>> -> memref<128x32xf32, #tpu.memory_space<hbm>>
    %dma_start3A_463 = arith.constant 32 : i32
    %dma_start3A_464 = tpu.memref_slice %arg5[%add3A_455, %dma_start3A_463] : memref<20480x64xf32, #tpu.memory_space<hbm>> -> memref<128x32xf32, #tpu.memory_space<hbm>>
    %dma_start3A_465 = arith.constant 0 : i32
    %dma_start3A_466 = arith.constant 0 : i32
    %dma_start3A_467 = tpu.memref_slice %arg8[%dma_start3A_456, %dma_start3A_465, %dma_start3A_466] : memref<2x128x32xf32, #tpu.memory_space<vmem>> -> memref<1x128x32xf32, #tpu.memory_space<vmem>>
    %dma_start3A_468 = tpu.memref_squeeze %dma_start3A_467 : memref<1x128x32xf32, #tpu.memory_space<vmem>> -> memref<128x32xf32, #tpu.memory_space<vmem>>
    tpu.enqueue_dma source(%dma_start3A_468 : memref<128x32xf32, #tpu.memory_space<vmem>>) target(%dma_start3A_464 : memref<128x32xf32, #tpu.memory_space<hbm>>) target_semaphore(%arg11 : memref<!tpu.dma_semaphore, #tpu.memory_space<semaphore_mem>>)
    %dma_wait3A_469 = arith.constant 1 : i32
    %dma_wait3A_470 = arith.constant 0 : i32
    %dma_wait3A_471 = arith.constant 0 : i32
    %dma_wait3A_472 = tpu.memref_slice %arg7[%dma_wait3A_469, %dma_wait3A_470, %dma_wait3A_471] : memref<2x128x32xf32, #tpu.memory_space<vmem>> -> memref<1x128x32xf32, #tpu.memory_space<vmem>>
    %dma_wait3A_473 = tpu.memref_squeeze %dma_wait3A_472 : memref<1x128x32xf32, #tpu.memory_space<vmem>> -> memref<128x32xf32, #tpu.memory_space<vmem>>
    %dma_wait3A_474 = arith.constant 0 : i32
    %dma_wait3A_475 = tpu.memref_slice %arg5[%add3A_374, %dma_wait3A_474] : memref<20480x64xf32, #tpu.memory_space<hbm>> -> memref<128x32xf32, #tpu.memory_space<hbm>>
    %dma_wait3A_476 = arith.constant 0 : i32
    %dma_wait3A_477 = tpu.memref_slice %arg5[%add3A_374, %dma_wait3A_476] : memref<20480x64xf32, #tpu.memory_space<hbm>> -> memref<128x32xf32, #tpu.memory_space<hbm>>
    %dma_wait3A_478 = arith.constant 0 : i32
    %dma_wait3A_479 = arith.constant 0 : i32
    %dma_wait3A_480 = tpu.memref_slice %arg7[%dma_wait3A_469, %dma_wait3A_478, %dma_wait3A_479] : memref<2x128x32xf32, #tpu.memory_space<vmem>> -> memref<1x128x32xf32, #tpu.memory_space<vmem>>
    %dma_wait3A_481 = tpu.memref_squeeze %dma_wait3A_480 : memref<1x128x32xf32, #tpu.memory_space<vmem>> -> memref<128x32xf32, #tpu.memory_space<vmem>>
    tpu.wait_dma2 semaphore(%arg11 : memref<!tpu.dma_semaphore, #tpu.memory_space<semaphore_mem>>) src(%dma_wait3A_481 : memref<128x32xf32, #tpu.memory_space<vmem>>) dst(%dma_wait3A_477 : memref<128x32xf32, #tpu.memory_space<hbm>>)
    %dma_wait3A_482 = arith.constant 1 : i32
    %dma_wait3A_483 = arith.constant 0 : i32
    %dma_wait3A_484 = arith.constant 0 : i32
    %dma_wait3A_485 = tpu.memref_slice %arg8[%dma_wait3A_482, %dma_wait3A_483, %dma_wait3A_484] : memref<2x128x32xf32, #tpu.memory_space<vmem>> -> memref<1x128x32xf32, #tpu.memory_space<vmem>>
    %dma_wait3A_486 = tpu.memref_squeeze %dma_wait3A_485 : memref<1x128x32xf32, #tpu.memory_space<vmem>> -> memref<128x32xf32, #tpu.memory_space<vmem>>
    %dma_wait3A_487 = arith.constant 32 : i32
    %dma_wait3A_488 = tpu.memref_slice %arg5[%add3A_401, %dma_wait3A_487] : memref<20480x64xf32, #tpu.memory_space<hbm>> -> memref<128x32xf32, #tpu.memory_space<hbm>>
    %dma_wait3A_489 = arith.constant 32 : i32
    %dma_wait3A_490 = tpu.memref_slice %arg5[%add3A_401, %dma_wait3A_489] : memref<20480x64xf32, #tpu.memory_space<hbm>> -> memref<128x32xf32, #tpu.memory_space<hbm>>
    %dma_wait3A_491 = arith.constant 0 : i32
    %dma_wait3A_492 = arith.constant 0 : i32
    %dma_wait3A_493 = tpu.memref_slice %arg8[%dma_wait3A_482, %dma_wait3A_491, %dma_wait3A_492] : memref<2x128x32xf32, #tpu.memory_space<vmem>> -> memref<1x128x32xf32, #tpu.memory_space<vmem>>
    %dma_wait3A_494 = tpu.memref_squeeze %dma_wait3A_493 : memref<1x128x32xf32, #tpu.memory_space<vmem>> -> memref<128x32xf32, #tpu.memory_space<vmem>>
    tpu.wait_dma2 semaphore(%arg11 : memref<!tpu.dma_semaphore, #tpu.memory_space<semaphore_mem>>) src(%dma_wait3A_494 : memref<128x32xf32, #tpu.memory_space<vmem>>) dst(%dma_wait3A_490 : memref<128x32xf32, #tpu.memory_space<hbm>>)
    %dma_wait3A_495 = arith.constant 0 : i32
    %dma_wait3A_496 = arith.constant 0 : i32
    %dma_wait3A_497 = arith.constant 0 : i32
    %dma_wait3A_498 = tpu.memref_slice %arg7[%dma_wait3A_495, %dma_wait3A_496, %dma_wait3A_497] : memref<2x128x32xf32, #tpu.memory_space<vmem>> -> memref<1x128x32xf32, #tpu.memory_space<vmem>>
    %dma_wait3A_499 = tpu.memref_squeeze %dma_wait3A_498 : memref<1x128x32xf32, #tpu.memory_space<vmem>> -> memref<128x32xf32, #tpu.memory_space<vmem>>
    %dma_wait3A_500 = arith.constant 0 : i32
    %dma_wait3A_501 = tpu.memref_slice %arg5[%add3A_428, %dma_wait3A_500] : memref<20480x64xf32, #tpu.memory_space<hbm>> -> memref<128x32xf32, #tpu.memory_space<hbm>>
    %dma_wait3A_502 = arith.constant 0 : i32
    %dma_wait3A_503 = tpu.memref_slice %arg5[%add3A_428, %dma_wait3A_502] : memref<20480x64xf32, #tpu.memory_space<hbm>> -> memref<128x32xf32, #tpu.memory_space<hbm>>
    %dma_wait3A_504 = arith.constant 0 : i32
    %dma_wait3A_505 = arith.constant 0 : i32
    %dma_wait3A_506 = tpu.memref_slice %arg7[%dma_wait3A_495, %dma_wait3A_504, %dma_wait3A_505] : memref<2x128x32xf32, #tpu.memory_space<vmem>> -> memref<1x128x32xf32, #tpu.memory_space<vmem>>
    %dma_wait3A_507 = tpu.memref_squeeze %dma_wait3A_506 : memref<1x128x32xf32, #tpu.memory_space<vmem>> -> memref<128x32xf32, #tpu.memory_space<vmem>>
    tpu.wait_dma2 semaphore(%arg11 : memref<!tpu.dma_semaphore, #tpu.memory_space<semaphore_mem>>) src(%dma_wait3A_507 : memref<128x32xf32, #tpu.memory_space<vmem>>) dst(%dma_wait3A_503 : memref<128x32xf32, #tpu.memory_space<hbm>>)
    %dma_wait3A_508 = arith.constant 0 : i32
    %dma_wait3A_509 = arith.constant 0 : i32
    %dma_wait3A_510 = arith.constant 0 : i32
    %dma_wait3A_511 = tpu.memref_slice %arg8[%dma_wait3A_508, %dma_wait3A_509, %dma_wait3A_510] : memref<2x128x32xf32, #tpu.memory_space<vmem>> -> memref<1x128x32xf32, #tpu.memory_space<vmem>>
    %dma_wait3A_512 = tpu.memref_squeeze %dma_wait3A_511 : memref<1x128x32xf32, #tpu.memory_space<vmem>> -> memref<128x32xf32, #tpu.memory_space<vmem>>
    %dma_wait3A_513 = arith.constant 32 : i32
    %dma_wait3A_514 = tpu.memref_slice %arg5[%add3A_455, %dma_wait3A_513] : memref<20480x64xf32, #tpu.memory_space<hbm>> -> memref<128x32xf32, #tpu.memory_space<hbm>>
    %dma_wait3A_515 = arith.constant 32 : i32
    %dma_wait3A_516 = tpu.memref_slice %arg5[%add3A_455, %dma_wait3A_515] : memref<20480x64xf32, #tpu.memory_space<hbm>> -> memref<128x32xf32, #tpu.memory_space<hbm>>
    %dma_wait3A_517 = arith.constant 0 : i32
    %dma_wait3A_518 = arith.constant 0 : i32
    %dma_wait3A_519 = tpu.memref_slice %arg8[%dma_wait3A_508, %dma_wait3A_517, %dma_wait3A_518] : memref<2x128x32xf32, #tpu.memory_space<vmem>> -> memref<1x128x32xf32, #tpu.memory_space<vmem>>
    %dma_wait3A_520 = tpu.memref_squeeze %dma_wait3A_519 : memref<1x128x32xf32, #tpu.memory_space<vmem>> -> memref<128x32xf32, #tpu.memory_space<vmem>>
    tpu.wait_dma2 semaphore(%arg11 : memref<!tpu.dma_semaphore, #tpu.memory_space<semaphore_mem>>) src(%dma_wait3A_520 : memref<128x32xf32, #tpu.memory_space<vmem>>) dst(%dma_wait3A_516 : memref<128x32xf32, #tpu.memory_space<hbm>>)
    return
  }
}

module attributes {stable_mosaic.version = 14 : i64} {
  func.func @_tc_outxpose_kernel(%arg0: i32, %arg1: memref<1280x128xf32, #tpu.memory_space<vmem>>, %arg2: memref<10x128x128xf32, #tpu.memory_space<vmem>>) attributes {dimension_semantics = [#tpu.dimension_semantics<arbitrary>], iteration_bounds = array<i64: 8>, scalar_prefetch = 0 : i64, scratch_operands = 0 : i64, tpu.core_type = #tpu.core_type<tc>, window_params = [{transform_indices = @transform_0, window_bounds = array<i64: 1280, 128>}, {transform_indices = @transform_1, window_bounds = array<i64: 10, 128, 128>}]} {
    %get3A = arith.constant 0 : index
    %get3A_0 = arith.constant 0 : index
    %get3A_1 = vector.load %arg1[%get3A, %get3A_0] : memref<1280x128xf32, #tpu.memory_space<vmem>>, vector<1280x128xf32>
    %reshape3A = vector.shape_cast %get3A_1 : vector<1280x128xf32> to vector<128x10x128xf32>
    %transpose3A = tpu.transpose %reshape3A, [1, 2, 0] : vector<128x10x128xf32> -> vector<10x128x128xf32>
    %swap3A = arith.constant 0 : index
    %swap3A_2 = arith.constant 0 : index
    %swap3A_3 = arith.constant 0 : index
    %swap3A_4 = vector.load %arg2[%swap3A, %swap3A_2, %swap3A_3] : memref<10x128x128xf32, #tpu.memory_space<vmem>>, vector<10x128x128xf32>
    tpu.vector_store %arg2[%swap3A, %swap3A_2, %swap3A_3], %transpose3A {strides = array<i32>} : memref<10x128x128xf32, #tpu.memory_space<vmem>>, vector<10x128x128xf32>,
    return
  }
  func.func @transform_0(%arg0: i32) -> (i32, i32) {
    %c0_i32 = arith.constant 0 : i32
    %c0_i32_0 = arith.constant 0 : i32
    return %arg0, %c0_i32 : i32, i32
  }
  func.func @transform_1(%arg0: i32) -> (i32, i32, i32) {
    %c0_i32 = arith.constant 0 : i32
    %c0_i32_0 = arith.constant 0 : i32
    %c0_i32_1 = arith.constant 0 : i32
    return %c0_i32, %c0_i32_0, %arg0 : i32, i32, i32
  }
}

module attributes {stable_mosaic.version = 14 : i64} {
  func.func @_tc_copy_kernel(%arg0: i32, %arg1: memref<8x100000xf32, #tpu.memory_space<vmem>>, %arg2: memref<8x100000xf32, #tpu.memory_space<vmem>>) attributes {dimension_semantics = [#tpu.dimension_semantics<arbitrary>], iteration_bounds = array<i64: 4>, scalar_prefetch = 0 : i64, scratch_operands = 0 : i64, tpu.core_type = #tpu.core_type<tc>, window_params = [{transform_indices = @transform_0, window_bounds = array<i64: 8, 100000>}, {transform_indices = @transform_1, window_bounds = array<i64: 8, 100000>}]} {
    %get3A = arith.constant 0 : index
    %get3A_0 = arith.constant 0 : index
    %get3A_1 = vector.load %arg1[%get3A, %get3A_0] : memref<8x100000xf32, #tpu.memory_space<vmem>>, vector<8x100000xf32>
    %swap3A = arith.constant 0 : index
    %swap3A_2 = arith.constant 0 : index
    %swap3A_3 = vector.load %arg2[%swap3A, %swap3A_2] : memref<8x100000xf32, #tpu.memory_space<vmem>>, vector<8x100000xf32>
    tpu.vector_store %arg2[%swap3A, %swap3A_2], %get3A_1 {strides = array<i32>} : memref<8x100000xf32, #tpu.memory_space<vmem>>, vector<8x100000xf32>,
    return
  }
  func.func @transform_0(%arg0: i32) -> (i32, i32) {
    %c0_i32 = arith.constant 0 : i32
    %c0_i32_0 = arith.constant 0 : i32
    return %arg0, %c0_i32 : i32, i32
  }
  func.func @transform_1(%arg0: i32) -> (i32, i32) {
    %c0_i32 = arith.constant 0 : i32
    %c0_i32_0 = arith.constant 0 : i32
    return %arg0, %c0_i32 : i32, i32
  }
}

</mosaic_0001>

<sc_bundles>
// kernel: kernel.5.cloned.1.call-start
scs
__scs_entry_jumppad:
0x0: {  	(pc) =	sbr.rel $0x88, $3  }
0x1: {  	(tag) =	ssettag $0x0;
	lr =	simm.s32 $0x1  }
0x2: {  	[smem:$0x3F9E] =	sst lr;
	_ =	strace $0xD0000000  }
0x3: {  	_ = 	snop  }
0x4: {  	_ = 	snop  }
0x5: {  	_ = 	snop  }
0x6: {  	_ = 	snop  }
0x7: {  	_ = 	snop  }
__scs_overlays_trampoline_lowered:
0x8: {  	[smem:$0x3FAD] =	sst s0  }
0x9: {  	[smem:$0x3FAE] =	sst s1  }
0xa: {  	[smem:$0x3FAF] =	sst s2  }
0xb: {  	[smem:$0x3FB0] =	sst s3  }
0xc: {  	[smem:$0x3FB1] =	sst s4  }
0xd: {  	[smem:$0x3FB2] =	sst s5  }
0xe: {  	[smem:$0x3FB3] =	sst s6  }
0xf: {  	[smem:$0x3FB4] =	sst s7  }
0x10: {  	[smem:$0x3FB5] =	sst s8  }
0x11: {  	[smem:$0x3FB6] =	sst s9;
	s0 =	simm.s32 @!p0 $0x0  }
0x12: {  	s1 =	sld [smem:$0x3F9C];
	s0 =	simm.s32 @p0 $0x1  }
0x13: {  	[smem:$0x3FB7] =	sst s0;
	s0 =	simm.s32 @!p1 $0x0  }
0x14: {  	s2 =	sld [smem:$0x3F9B];
	s0 =	simm.s32 @p1 $0x1  }
0x15: {  	[smem:$0x3FB8] =	sst s0;
	s0 =	simm.s32 @!p2 $0x0  }
0x16: {  	s3 =	sld [smem:$0x3FDB];
	s0 =	simm.s32 @p2 $0x1  }
0x17: {  	s4 =	simm.s32 $0x1BF5;
	[smem:$0x3FBA] =	sst s0  }
0x18: {  	s0 =	sld [smem:$0x3F9D];
	_ =	swait.ge [sflag:s4], $0x0  }
0x19: {  	s7 =	sld [smem:$0x3F9E]  }
0x1a: {  	s8 =	sadd.s32 $0xFFFFE003, lr  }
0x1b: {  	s9 =	sadd.s32 $0xFFFFFEF7, lr;
	s5 =	simm.s32 $0xFFFFFFFF;
	p2 =	slt.u32 s8, $0xFFFFF086  }
0x1c: {  	p1 =	slt.u32 s9, $0xF7A;
	s5 =	simm.s32 @!p2 $0x0  }
0x1d: {  	s5 =	simm.s32 @p1 $0x1;
	p0 =	seq.s32 s7, s2  }
0x1e: {  	s7 =	smul.u32 @!p0 $0xF7A, s2;
	p2 =	seq.s32 @!p0 s5, $0x0  }
0x1f: {  	s9 =	smul.u32 $0xF7A, s1;
	s8 =	simm.s32 @!p0 $0x1BF5;
	p2 =	por !p2, p0  }
0x20: {  	[sflag:s8] =	ssyncset.s32 @!p0 $0xFFFFF086;
	s6 =	sadd.s32 @!p0 s3, s7;
	s7 =	simm.s32 @!p0 $0x108  }
0x21: {  	s3 =	sadd.s32 s3, s9;
	s6 =	sadd.s32 @!p0 $0x88, s6;
	s7 =	simm.s32 @p2 $0x1082  }
0x22: {  	[simem:s7], [sflag:s8] =	dma.local @!p0 [hbm:s6], $0xF7A  }
0x23: {  	s9 =	sor.u32 $0xD0000000, s2;
	s6 =	simm.s32 $0x108;
	_ =	swait.ge @!p0 [sflag:s8], $0x0  }
0x24: {  	s3 =	sadd.s32 $0x88, s3;
	s6 =	simm.s32 @!p1 $0x1082;
	[sflag:s4] =	ssyncset.s32 $0xFFFFF086  }
0x25: {  	[simem:s6], [sflag:s4] =	dma.local [hbm:s3], $0xF7A  }
0x26: {  	[smem:$0x3F9E] =	sst s1;
	(tag) =	ssettag s2;
	_ =	strace s9  }
0x27: {  	s1 =	sld [smem:$0x3FAE]  }
0x28: {  	s2 =	sld [smem:$0x3FAF]  }
0x29: {  	s4 =	sld [smem:$0x3FB1]  }
0x2a: {  	p0 =	seq.s32 s5, $0x0;
	s5 =	sld [smem:$0x3FB2]  }
0x2b: {  	s6 =	sld [smem:$0x3FB3]  }
0x2c: {  	s7 =	sld [smem:$0x3FB4]  }
0x2d: {  	s3 =	simm.s32 $0x108;
	s8 =	sld [smem:$0x3FB5]  }
0x2e: {  	s3 =	simm.s32 @!p0 $0x1082;
	s9 =	sld [smem:$0x3FB6]  }
0x2f: {  	lr =	sadd.s32 s0, s3;
	s0 =	sld [smem:$0x3FAD]  }
0x30: {  	s3 =	sld [smem:$0x3FB0]  }
0x31: {  	[smem:$0x3FB9] =	sst s10  }
0x32: {  	s10 =	sld [smem:$0x3FB7];
	_ =	sdelay $0x3  }
0x33: {  	p0 =	seq.s32 s10, $0x1;
	s10 =	sld [smem:$0x3FB9];
	_ =	sdelay $0x3  }
0x34: {  	[smem:$0x3FB9] =	sst s10  }
0x35: {  	s10 =	sld [smem:$0x3FB8];
	_ =	sdelay $0x3  }
0x36: {  	p1 =	seq.s32 s10, $0x1;
	s10 =	sld [smem:$0x3FB9];
	_ =	sdelay $0x3  }
0x37: {  	[smem:$0x3FB9] =	sst s10  }
0x38: {  	s10 =	sld [smem:$0x3FBA]  }
0x39: {  	_ = 	snop;
	(pc) =	sbr.ind lr, $3  }
0x3a: {  	_ = 	snop  }
0x3b: {  	_ = 	snop  }
0x3c: {  	p2 =	seq.s32 s10, $0x1;
	s10 =	sld [smem:$0x3FB9]  }
0x3d: {  	_ =	shalt  }
0x3e: {  	_ =	shalt  }
0x3f: {  	_ =	shalt  }
0x40: {  	_ =	shalt  }
0x41: {  	_ =	shalt  }
0x42: {  	_ =	shalt  }
0x43: {  	_ =	shalt  }
0x44: {  	_ =	shalt  }
0x45: {  	_ =	shalt  }
0x46: {  	_ =	shalt  }
0x47: {  	_ =	shalt  }
0x48: {  	_ =	shalt  }
0x49: {  	_ =	shalt  }
0x4a: {  	_ =	shalt  }
0x4b: {  	_ =	shalt  }
0x4c: {  	_ =	shalt  }
0x4d: {  	_ =	shalt  }
0x4e: {  	_ =	shalt  }
0x4f: {  	_ =	shalt  }
0x50: {  	_ =	shalt  }
0x51: {  	_ =	shalt  }
0x52: {  	_ =	shalt  }
0x53: {  	_ =	shalt  }
0x54: {  	_ =	shalt  }
0x55: {  	_ =	shalt  }
0x56: {  	_ =	shalt  }
0x57: {  	_ =	shalt  }
0x58: {  	_ =	shalt  }
0x59: {  	_ =	shalt  }
0x5a: {  	_ =	shalt  }
0x5b: {  	_ =	shalt  }
0x5c: {  	_ =	shalt  }
0x5d: {  	_ =	shalt  }
0x5e: {  	_ =	shalt  }
0x5f: {  	_ =	shalt  }
0x60: {  	_ =	shalt  }
0x61: {  	_ =	shalt  }
0x62: {  	_ =	shalt  }
0x63: {  	_ =	shalt  }
0x64: {  	_ =	shalt  }
0x65: {  	_ =	shalt  }
0x66: {  	_ =	shalt  }
0x67: {  	_ =	shalt  }
0x68: {  	_ =	shalt  }
0x69: {  	_ =	shalt  }
0x6a: {  	_ =	shalt  }
0x6b: {  	_ =	shalt  }
0x6c: {  	_ =	shalt  }
0x6d: {  	_ =	shalt  }
0x6e: {  	_ =	shalt  }
0x6f: {  	_ =	shalt  }
0x70: {  	_ =	shalt  }
0x71: {  	_ =	shalt  }
0x72: {  	_ =	shalt  }
0x73: {  	_ =	shalt  }
0x74: {  	_ =	shalt  }
0x75: {  	_ =	shalt  }
0x76: {  	_ =	shalt  }
0x77: {  	_ =	shalt  }
0x78: {  	_ =	shalt  }
0x79: {  	_ =	shalt  }
0x7a: {  	_ =	shalt  }
0x7b: {  	_ =	shalt  }
0x7c: {  	_ =	shalt  }
0x7d: {  	_ =	shalt  }
0x7e: {  	_ =	shalt  }
0x7f: {  	_ =	shalt  }
0x80: {  	_ =	shalt  }
0x81: {  	_ =	shalt  }
0x82: {  	_ =	shalt  }
0x83: {  	_ =	shalt  }
0x84: {  	_ =	shalt  }
0x85: {  	_ =	shalt  }
0x86: {  	_ =	shalt  }
0x87: {  	_ =	shalt  }
.Lfunc_end0:
.L_simem_size_0:
called_computation_lowered:
.L_overlay_start_0:
0x88: {  	s2 =	sld [smem:$0x3FD9]  }
0x89: {  	s3 =	sld [smem:$0x3FFE];
	_ =	sdelay $0x1  }
0x8a: {  	s1 =	srdreg.scid  }
0x8b: {  	s0 =	sand.u32 $0x1, s1  }
0x8c: {  	s14 =	sshll.u32 s0, $0xA;
	s2 =	sadd.s32 s3, s2  }
0x8d: {  	s2 =	sadd.s32 s2, s14  }
0x8e: {  	[smem:$0x3FC5] =	sst s2  }
0x8f: {  	_ = 	snop  }
0x90: {  	s2 =	sld [smem:$0x3FD0];
	_ =	sdelay $0x2  }
0x91: {  	s15 =	simm.s32 $0xA;
	s4 =	simm.s32 $0x10  }
0x92: {  	[smem:s4], [sflag:s15] =	dma.local [hbm:s2], $0x1  }
0x93: {  	_ =	swait.eq [sflag:s15], $0x1  }
0x94: {  	[sflag:s15] =	ssyncset.done $0x0  }
0x95: {  	[sflag:s15] =	ssyncadd.s32 $0xFFFFFFFF  }
0x96: {  	s16 =	sld [smem:$0x10];
	(tm) =	ssettm $0x1  }
0x97: {  	s17 =	sld [smem:$0x3FFB];
	_ =	sdelay $0x3  }
0x98: {  	_ =	strace s17  }
0x99: {  	s3 =	sld [smem:$0x3FFC];
	_ =	sdelay $0x3  }
0x9a: {  	_ =	strace s3  }
0x9b: {  	s3 =	sld [smem:$0x3FFD];
	_ =	sdelay $0x3  }
0x9c: {  	_ =	strace s3  }
0x9d: {  	_ =	strace $0x8FFFFFFF  }
0x9e: {  	s18 =	sld [smem:$0x3FDB];
	_ =	sdelay $0x1  }
0x9f: {  	s19 =	simm.s32 $_scs_section_size  }
0xa0: {  	s5 =	simm.s32 $_size__tile_overlayer_lowered;
	s6 =	simm.s32 $_tile_overlayer_lowered  }
0xa1: {  	s22 =	simm.s32 $0x1BFF;
	s21 =	sshll.u32 s6, $0x1;
	s3 =	sadd.s32 s19, s18  }
0xa2: {  	s7 =	simm.s32 $0x0;
	s20 =	sshll.u32 s5, $0x1;
	s5 =	sadd.s32 s21, s3  }
0xa3: {  	[timem:s7], [sflag:s22] =	dma.local [hbm:s5], s20  }
0xa4: {  	_ =	swait.ge [sflag:s22], s20  }
0xa5: {  	s4 =	ssub.s32 $0x0, s20;
	[sflag:s22] =	ssyncset.done $0x0  }
0xa6: {  	[sflag:s22] =	ssyncadd.s32 s4;
	_ =	sdelay $0x1  }
0xa7: {  	s23 =	simm.s32 $0x1B8B  }
0xa8: {  	_ =	swait.ge [sflag:s23], $0x1  }
0xa9: {  	[sflag:s23] =	ssyncset.done $0x0  }
0xaa: {  	s25 =	simm.s32 $0x1B8E;
	s24 =	sld [smem:$0x3FFE];
	[sflag:s23] =	ssyncadd.s32 $0xFFFFFFFF  }
0xab: {  	s26 =	simm.s32 $execute0_lowered;
	[smem:$0x3FD2] =	sst s25  }
0xac: {  	s5 =	sshll.u32 s26, $0x1;
	_ =	strace $0x80000046;
	[dreg:$0x1] =	wrdreg $0xFFFFFFFF  }
0xad: {  	s28 =	simm.s32 $_size_execute0_lowered;
	s3 =	sadd.s32 s3, s5;
	[dreg:$0x0] =	wrdreg $0x0  }
0xae: {  	s5 =	sshll.u32 s28, $0x1;
	[dreg:$0x2] =	wrdreg s3  }
0xaf: {  	[dreg:$0x3] =	wrdreg s5  }
0xb0: {  	[dreg:$0x4] =	wrdreg $0xC0  }
0xb1: {  	_ =	task [dreg:s7], $0x5FFFF  }
0xb2: {  	[dreg:$0x1] =	wrdreg $0xFFFFFFFF  }
0xb3: {  	[dreg:$0x0] =	wrdreg $0x60  }
0xb4: {  	[dreg:$0x2] =	wrdreg s24  }
0xb5: {  	[dreg:$0x3] =	wrdreg s16  }
0xb6: {  	[dreg:$0x4] =	wrdreg $0x9  }
0xb7: {  	_ =	task.clear_ibuf [dreg:s7], $0x5FFFF;
	_ =	strace $0x90000046  }
0xb8: {  	s29 =	simm.s32 $0x9;
	_ =	strace $0x80000048  }
0xb9: {  	_ =	swait.ge [sflag:s29], $0x1  }
0xba: {  	[sflag:s29] =	ssyncadd.s32 $0xFFFFFFFF  }
0xbb: {  	_ =	strace $0x90000048  }
0xbc: {  	_ =	sfence  }
0xbd: {  	s30 =	sld [smem:$0x0];
	_ =	sdelay $0x2  }
0xbe: {  	s31 =	sshll.u32 s1, $0xD;
	s1 =	sshrl.u32 s1, $0x2  }
0xbf: {  	s3 =	sand.u32 $0x4000, s31;
	s1 =	sadd.s32 s1, s30  }
0xc0: {  	s0 =	sor.u32 s3, s0;
	s1 =	sshll.u32 s1, $0x11  }
0xc1: {  	s0 =	sor.u32 s1, s0  }
0xc2: {  	s0 =	sadd.s32 $0x8F2B, s0  }
0xc3: {  	[sflag:s0] =	ssyncadd.remote.s32 $0x1  }
0xc4: {  	_ =	sfence.sel $0xFFFF  }
0xc5: {  	[dreg:$0x0] =	wrdreg $0xFFFFFFFF;
	(pc) =	sbr.abs _section_cstart, $3  }
0xc6: {  	[dreg:$0x1] =	wrdreg $0xFFFFFFFF  }
0xc7: {  	_ =	task.clear_ibuf [dreg:s7], $0x2FFFF;
	_ =	strace $0x9FFFFFFF  }
0xc8: {  	(tm) =	ssettm $0x7FFFFFFF  }
0xc9: {  	_ =	shalt  }
tec
execute0_lowered:
.L_overlay_start_1:
0x0: {  	(tag) =	ssettag $0x1  }
0x1: {  	s1 =	srdreg.scid;
	s0 =	stileid.u32  }
0x2: {  	s31 =	sand.u32 $0x1, s1;
	s26 =	sshll.u32 s0, $0x1  }
0x3: {  	s11 =	sor.u32 s31, s26  }
0x4: {  	s8 =	rddreg [dreg:$0x0];
	s3 =	smul.u32 $0x50, s11  }
0x5: {  	s13 =	rddreg [dreg:$0x1];
	s2 =	simm.s32 $0x0  }
0x6: {  	[smem:$0x7FF] =	sst s2;
	s3 =	sadd.s32 s3, s8  }
0x7: {  	s4 =	simm.s32 $0x4;
	_ =	strace $0x80000047;
	s3 =	sadd.s32 $0x1800, s3  }
0x8: {  	[tilespmem:s2], [sflag:$0x4] =	stream.linear.gather [hbm4b:s3+s2], $0x280, $0x38;
	[tilespmem:$0x4280] =	vst v63  }
0x9: {  	_ =	swait.ge [sflag:s4], $0x280  }
0xa: {  	s6 =	simm.s32 $0x80;
	[sflag:s4] =	ssyncset.done $0x0  }
0xb: {  	s7 =	simm.s32 $0x280;
	s5 =	sadd.s32 $0x1E9E00, s8;
	[sflag:s4] =	ssyncadd.s32 $0xFFFFFD80  }
0xc: {  	[tilespmem:s7], [sflag:$0x1] =	stream.indirect.gather [hbm4b:s5+s6], $0x20, s2, s6, $0xb8;
	[tilespmem:$0x4280] =	vst v63  }
0xd: {  	s9 =	simm.s32 $0x2280;
	s8 =	sadd.s32 $0x188200, s8  }
0xe: {  	[tilespmem:s9], [sflag:$0x2] =	stream.indirect.gather [hbm4b:s8+s6], $0x20, s2, s6, $0xb8;
	[tilespmem:$0x4280] =	vst v63  }
0xf: {  	s10 =	simm.s32 $0x1280  }
0x10: {  	[tilespmem:s10], [sflag:$0x1] =	stream.indirect.gather [hbm4b:s5+s6], $0x20, s6, s6, $0xb8;
	[tilespmem:$0x4280] =	vst v63  }
0x11: {  	s12 =	simm.s32 $0x1;
	s14 =	smul.u32 $0xA000, s11;
	s11 =	simm.s32 $0x3280  }
0x12: {  	[tilespmem:s11], [sflag:$0x2] =	stream.indirect.gather [hbm4b:s8+s6], $0x20, s6, s6, $0xb8;
	[tilespmem:$0x4280] =	vst v63  }
0x13: {  	s15 =	simm.s32 $0x40;
	_ =	swait.ge [sflag:s12], $0x1000  }
0x14: {  	s16 =	simm.s32 $0x2;
	s14 =	sshrl.u32 s14, $0x3;
	[sflag:s12] =	ssyncset.done $0x0  }
0x15: {  	s13 =	sadd.s32 s13, s14;
	s14 =	simm.s32 $0x20;
	[sflag:s12] =	ssyncadd.s32 $0xFFFFF000  }
0x16: {  	[hbm4b:s13+s14] =	stream.strided.scatter [tilespmem:s7], [sflag:$0x3], $0x1000, s15, s14, $0x38;
	[tilespmem:$0x4280] =	vst v63  }
0x17: {  	_ =	swait.ge [sflag:s16], $0x1000  }
0x18: {  	[sflag:s16] =	ssyncset.done $0x0  }
0x19: {  	s17 =	simm.s32 $0x3;
	s18 =	sadd.s32 $0x4, s13;
	[sflag:s16] =	ssyncadd.s32 $0xFFFFF000  }
0x1a: {  	[hbm4b:s18+s14] =	stream.strided.scatter [tilespmem:s9], [sflag:$0x3], $0x1000, s15, s14, $0x38;
	[tilespmem:$0x4280] =	vst v63  }
0x1b: {  	_ =	swait.ge [sflag:s17], $0x1000  }
0x1c: {  	[sflag:s17] =	ssyncset.done $0x0  }
0x1d: {  	[sflag:s17] =	ssyncadd.s32 $0xFFFFF000  }
0x1e: {  	_ =	swait.ge [sflag:s17], $0x1000  }
0x1f: {  	[sflag:s17] =	ssyncset.done $0x0  }
0x20: {  	s19 =	simm.s32 $0x100;
	[sflag:s17] =	ssyncadd.s32 $0xFFFFF000  }
0x21: {  	[tilespmem:s7], [sflag:$0x1] =	stream.indirect.gather [hbm4b:s5+s6], $0x20, s19, s6, $0xb8;
	[tilespmem:$0x4280] =	vst v63  }
0x22: {  	_ = 	snop  }
0x23: {  	[tilespmem:s9], [sflag:$0x2] =	stream.indirect.gather [hbm4b:s8+s6], $0x20, s19, s6, $0xb8;
	[tilespmem:$0x4280] =	vst v63  }
0x24: {  	_ =	swait.ge [sflag:s12], $0x1000  }
0x25: {  	[sflag:s12] =	ssyncset.done $0x0  }
0x26: {  	s20 =	sadd.s32 $0x400, s13;
	[sflag:s12] =	ssyncadd.s32 $0xFFFFF000  }
0x27: {  	[hbm4b:s20+s14] =	stream.strided.scatter [tilespmem:s10], [sflag:$0x3], $0x1000, s15, s14, $0x38;
	[tilespmem:$0x4280] =	vst v63  }
0x28: {  	_ =	swait.ge [sflag:s16], $0x1000  }
0x29: {  	[sflag:s16] =	ssyncset.done $0x0  }
0x2a: {  	s21 =	sadd.s32 $0x404, s13;
	[sflag:s16] =	ssyncadd.s32 $0xFFFFF000  }
0x2b: {  	[hbm4b:s21+s14] =	stream.strided.scatter [tilespmem:s11], [sflag:$0x3], $0x1000, s15, s14, $0x38;
	[tilespmem:$0x4280] =	vst v63  }
0x2c: {  	_ =	swait.ge [sflag:s17], $0x1000  }
0x2d: {  	[sflag:s17] =	ssyncset.done $0x0  }
0x2e: {  	[sflag:s17] =	ssyncadd.s32 $0xFFFFF000  }
0x2f: {  	_ =	swait.ge [sflag:s17], $0x1000  }
0x30: {  	[sflag:s17] =	ssyncset.done $0x0  }
0x31: {  	s22 =	simm.s32 $0x180;
	[sflag:s17] =	ssyncadd.s32 $0xFFFFF000  }
0x32: {  	[tilespmem:s10], [sflag:$0x1] =	stream.indirect.gather [hbm4b:s5+s6], $0x20, s22, s6, $0xb8;
	[tilespmem:$0x4280] =	vst v63  }
0x33: {  	_ = 	snop  }
0x34: {  	[tilespmem:s11], [sflag:$0x2] =	stream.indirect.gather [hbm4b:s8+s6], $0x20, s22, s6, $0xb8;
	[tilespmem:$0x4280] =	vst v63  }
0x35: {  	_ =	swait.ge [sflag:s12], $0x1000  }
0x36: {  	[sflag:s12] =	ssyncset.done $0x0  }
0x37: {  	s23 =	sadd.s32 $0x800, s13;
	[sflag:s12] =	ssyncadd.s32 $0xFFFFF000  }
0x38: {  	[hbm4b:s23+s14] =	stream.strided.scatter [tilespmem:s7], [sflag:$0x3], $0x1000, s15, s14, $0x38;
	[tilespmem:$0x4280] =	vst v63  }
0x39: {  	_ =	swait.ge [sflag:s16], $0x1000  }
0x3a: {  	[sflag:s16] =	ssyncset.done $0x0  }
0x3b: {  	s24 =	sadd.s32 $0x804, s13;
	[sflag:s16] =	ssyncadd.s32 $0xFFFFF000  }
0x3c: {  	[hbm4b:s24+s14] =	stream.strided.scatter [tilespmem:s9], [sflag:$0x3], $0x1000, s15, s14, $0x38;
	[tilespmem:$0x4280] =	vst v63  }
0x3d: {  	_ =	swait.ge [sflag:s17], $0x1000  }
0x3e: {  	[sflag:s17] =	ssyncset.done $0x0  }
0x3f: {  	[sflag:s17] =	ssyncadd.s32 $0xFFFFF000  }
0x40: {  	_ =	swait.ge [sflag:s17], $0x1000  }
0x41: {  	[sflag:s17] =	ssyncset.done $0x0  }
0x42: {  	s25 =	simm.s32 $0x200;
	[sflag:s17] =	ssyncadd.s32 $0xFFFFF000  }
0x43: {  	[tilespmem:s7], [sflag:$0x1] =	stream.indirect.gather [hbm4b:s5+s6], $0x20, s25, s6, $0xb8;
	[tilespmem:$0x4280] =	vst v63  }
0x44: {  	_ = 	snop  }
0x45: {  	[tilespmem:s9], [sflag:$0x2] =	stream.indirect.gather [hbm4b:s8+s6], $0x20, s25, s6, $0xb8;
	[tilespmem:$0x4280] =	vst v63  }
0x46: {  	_ =	swait.ge [sflag:s12], $0x1000  }
0x47: {  	[sflag:s12] =	ssyncset.done $0x0  }
0x48: {  	s26 =	sadd.s32 $0xC00, s13;
	[sflag:s12] =	ssyncadd.s32 $0xFFFFF000  }
0x49: {  	[hbm4b:s26+s14] =	stream.strided.scatter [tilespmem:s10], [sflag:$0x3], $0x1000, s15, s14, $0x38;
	[tilespmem:$0x4280] =	vst v63  }
0x4a: {  	_ =	swait.ge [sflag:s16], $0x1000  }
0x4b: {  	[sflag:s16] =	ssyncset.done $0x0  }
0x4c: {  	s28 =	sadd.s32 $0xC04, s13;
	[sflag:s16] =	ssyncadd.s32 $0xFFFFF000  }
0x4d: {  	[hbm4b:s28+s14] =	stream.strided.scatter [tilespmem:s11], [sflag:$0x3], $0x1000, s15, s14, $0x38;
	[tilespmem:$0x4280] =	vst v63  }
0x4e: {  	_ =	swait.ge [sflag:s12], $0x1000  }
0x4f: {  	[sflag:s12] =	ssyncset.done $0x0  }
0x50: {  	s29 =	sadd.s32 $0x1000, s13;
	[sflag:s12] =	ssyncadd.s32 $0xFFFFF000  }
0x51: {  	[hbm4b:s29+s14] =	stream.strided.scatter [tilespmem:s7], [sflag:$0x3], $0x1000, s15, s14, $0x38;
	[tilespmem:$0x4280] =	vst v63  }
0x52: {  	_ =	swait.ge [sflag:s16], $0x1000  }
0x53: {  	[sflag:s16] =	ssyncset.done $0x0  }
0x54: {  	s30 =	sadd.s32 $0x1004, s13;
	[sflag:s16] =	ssyncadd.s32 $0xFFFFF000  }
0x55: {  	[hbm4b:s30+s14] =	stream.strided.scatter [tilespmem:s9], [sflag:$0x3], $0x1000, s15, s14, $0x38;
	[tilespmem:$0x4280] =	vst v63  }
0x56: {  	_ =	swait.ge [sflag:s17], $0x1000  }
0x57: {  	s31 =	ssub.s32 $0x2, s31;
	[sflag:s17] =	ssyncset.done $0x0  }
0x58: {  	s1 =	sshrl.u32 s31, $0x1;
	[sflag:s17] =	ssyncadd.s32 $0xFFFFF000  }
0x59: {  	s1 =	ssub.s32 s31, s1;
	_ =	swait.ge [sflag:s17], $0x1000  }
0x5a: {  	s1 =	smax.u32 s1, $0x1;
	[sflag:s17] =	ssyncset.done $0x0  }
0x5b: {  	p0 =	sne.s32 s1, $0x1;
	[sflag:s17] =	ssyncadd.s32 $0xFFFFF000  }
.Ltmp0:
0x5c: {  	_ =	swait.ge [sflag:s17], $0x1000;
	(pc) =	sbr.rel @!p0 .LBB2_2-.Ltmp0, $4  }
0x5d: {  	[sflag:s17] =	ssyncset.done $0x0  }
0x5e: {  	[sflag:s17] =	ssyncadd.s32 $0xFFFFF000  }
0x5f: {  	_ =	swait.ge [sflag:s17], $0x1000  }
0x60: {  	s31 =	sadd.s32 $0xFFFFFFFF, s1;
	[sflag:s17] =	ssyncset.done $0x0  }
.LBB2_1:
0x61: {  	p0 =	sne.s32 s31, $0x1;
	s31 =	sadd.s32 $0xFFFFFFFF, s31;
	[sflag:s17] =	ssyncadd.s32 $0xFFFFF000  }
0x62: {  	[tilespmem:s2], [sflag:$0x4] =	stream.linear.gather [hbm4b:s3+s2], $0x280, $0x38;
	[tilespmem:$0x4280] =	vst v63  }
0x63: {  	_ =	swait.ge [sflag:s4], $0x280  }
0x64: {  	[sflag:s4] =	ssyncset.done $0x0  }
0x65: {  	[sflag:s4] =	ssyncadd.s32 $0xFFFFFD80  }
0x66: {  	[tilespmem:s7], [sflag:$0x1] =	stream.indirect.gather [hbm4b:s5+s6], $0x20, s2, s6, $0xb8;
	[tilespmem:$0x4280] =	vst v63  }
0x67: {  	_ = 	snop  }
0x68: {  	[tilespmem:s9], [sflag:$0x2] =	stream.indirect.gather [hbm4b:s8+s6], $0x20, s2, s6, $0xb8;
	[tilespmem:$0x4280] =	vst v63  }
0x69: {  	_ = 	snop  }
0x6a: {  	[tilespmem:s10], [sflag:$0x1] =	stream.indirect.gather [hbm4b:s5+s6], $0x20, s6, s6, $0xb8;
	[tilespmem:$0x4280] =	vst v63  }
0x6b: {  	_ = 	snop  }
0x6c: {  	[tilespmem:s11], [sflag:$0x2] =	stream.indirect.gather [hbm4b:s8+s6], $0x20, s6, s6, $0xb8;
	[tilespmem:$0x4280] =	vst v63  }
0x6d: {  	_ =	swait.ge [sflag:s12], $0x1000  }
0x6e: {  	[sflag:s12] =	ssyncset.done $0x0  }
0x6f: {  	[sflag:s12] =	ssyncadd.s32 $0xFFFFF000  }
0x70: {  	[hbm4b:s13+s14] =	stream.strided.scatter [tilespmem:s7], [sflag:$0x3], $0x1000, s15, s14, $0x38;
	[tilespmem:$0x4280] =	vst v63  }
0x71: {  	_ =	swait.ge [sflag:s16], $0x1000  }
0x72: {  	[sflag:s16] =	ssyncset.done $0x0  }
0x73: {  	[sflag:s16] =	ssyncadd.s32 $0xFFFFF000  }
0x74: {  	[hbm4b:s18+s14] =	stream.strided.scatter [tilespmem:s9], [sflag:$0x3], $0x1000, s15, s14, $0x38;
	[tilespmem:$0x4280] =	vst v63  }
0x75: {  	_ =	swait.ge [sflag:s17], $0x1000  }
0x76: {  	[sflag:s17] =	ssyncset.done $0x0  }
0x77: {  	[sflag:s17] =	ssyncadd.s32 $0xFFFFF000  }
0x78: {  	_ =	swait.ge [sflag:s17], $0x1000  }
0x79: {  	[sflag:s17] =	ssyncset.done $0x0  }
0x7a: {  	[sflag:s17] =	ssyncadd.s32 $0xFFFFF000  }
0x7b: {  	[tilespmem:s7], [sflag:$0x1] =	stream.indirect.gather [hbm4b:s5+s6], $0x20, s19, s6, $0xb8;
	[tilespmem:$0x4280] =	vst v63  }
0x7c: {  	_ = 	snop  }
0x7d: {  	[tilespmem:s9], [sflag:$0x2] =	stream.indirect.gather [hbm4b:s8+s6], $0x20, s19, s6, $0xb8;
	[tilespmem:$0x4280] =	vst v63  }
0x7e: {  	_ =	swait.ge [sflag:s12], $0x1000  }
0x7f: {  	[sflag:s12] =	ssyncset.done $0x0  }
0x80: {  	[sflag:s12] =	ssyncadd.s32 $0xFFFFF000  }
0x81: {  	[hbm4b:s20+s14] =	stream.strided.scatter [tilespmem:s10], [sflag:$0x3], $0x1000, s15, s14, $0x38;
	[tilespmem:$0x4280] =	vst v63  }
0x82: {  	_ =	swait.ge [sflag:s16], $0x1000  }
0x83: {  	[sflag:s16] =	ssyncset.done $0x0  }
0x84: {  	[sflag:s16] =	ssyncadd.s32 $0xFFFFF000  }
0x85: {  	[hbm4b:s21+s14] =	stream.strided.scatter [tilespmem:s11], [sflag:$0x3], $0x1000, s15, s14, $0x38;
	[tilespmem:$0x4280] =	vst v63  }
0x86: {  	_ =	swait.ge [sflag:s17], $0x1000  }
0x87: {  	[sflag:s17] =	ssyncset.done $0x0  }
0x88: {  	[sflag:s17] =	ssyncadd.s32 $0xFFFFF000  }
0x89: {  	_ =	swait.ge [sflag:s17], $0x1000  }
0x8a: {  	[sflag:s17] =	ssyncset.done $0x0  }
0x8b: {  	[sflag:s17] =	ssyncadd.s32 $0xFFFFF000  }
0x8c: {  	[tilespmem:s10], [sflag:$0x1] =	stream.indirect.gather [hbm4b:s5+s6], $0x20, s22, s6, $0xb8;
	[tilespmem:$0x4280] =	vst v63  }
0x8d: {  	_ = 	snop  }
0x8e: {  	[tilespmem:s11], [sflag:$0x2] =	stream.indirect.gather [hbm4b:s8+s6], $0x20, s22, s6, $0xb8;
	[tilespmem:$0x4280] =	vst v63  }
0x8f: {  	_ =	swait.ge [sflag:s12], $0x1000  }
0x90: {  	[sflag:s12] =	ssyncset.done $0x0  }
0x91: {  	[sflag:s12] =	ssyncadd.s32 $0xFFFFF000  }
0x92: {  	[hbm4b:s23+s14] =	stream.strided.scatter [tilespmem:s7], [sflag:$0x3], $0x1000, s15, s14, $0x38;
	[tilespmem:$0x4280] =	vst v63  }
0x93: {  	_ =	swait.ge [sflag:s16], $0x1000  }
0x94: {  	[sflag:s16] =	ssyncset.done $0x0  }
0x95: {  	[sflag:s16] =	ssyncadd.s32 $0xFFFFF000  }
0x96: {  	[hbm4b:s24+s14] =	stream.strided.scatter [tilespmem:s9], [sflag:$0x3], $0x1000, s15, s14, $0x38;
	[tilespmem:$0x4280] =	vst v63  }
0x97: {  	_ =	swait.ge [sflag:s17], $0x1000  }
0x98: {  	[sflag:s17] =	ssyncset.done $0x0  }
0x99: {  	[sflag:s17] =	ssyncadd.s32 $0xFFFFF000  }
0x9a: {  	_ =	swait.ge [sflag:s17], $0x1000  }
0x9b: {  	[sflag:s17] =	ssyncset.done $0x0  }
0x9c: {  	[sflag:s17] =	ssyncadd.s32 $0xFFFFF000  }
0x9d: {  	[tilespmem:s7], [sflag:$0x1] =	stream.indirect.gather [hbm4b:s5+s6], $0x20, s25, s6, $0xb8;
	[tilespmem:$0x4280] =	vst v63  }
0x9e: {  	_ = 	snop  }
0x9f: {  	[tilespmem:s9], [sflag:$0x2] =	stream.indirect.gather [hbm4b:s8+s6], $0x20, s25, s6, $0xb8;
	[tilespmem:$0x4280] =	vst v63  }
0xa0: {  	_ =	swait.ge [sflag:s12], $0x1000  }
0xa1: {  	[sflag:s12] =	ssyncset.done $0x0  }
0xa2: {  	[sflag:s12] =	ssyncadd.s32 $0xFFFFF000  }
0xa3: {  	[hbm4b:s26+s14] =	stream.strided.scatter [tilespmem:s10], [sflag:$0x3], $0x1000, s15, s14, $0x38;
	[tilespmem:$0x4280] =	vst v63  }
0xa4: {  	_ =	swait.ge [sflag:s16], $0x1000  }
0xa5: {  	[sflag:s16] =	ssyncset.done $0x0  }
0xa6: {  	[sflag:s16] =	ssyncadd.s32 $0xFFFFF000  }
0xa7: {  	[hbm4b:s28+s14] =	stream.strided.scatter [tilespmem:s11], [sflag:$0x3], $0x1000, s15, s14, $0x38;
	[tilespmem:$0x4280] =	vst v63  }
0xa8: {  	_ =	swait.ge [sflag:s12], $0x1000  }
0xa9: {  	[sflag:s12] =	ssyncset.done $0x0  }
0xaa: {  	[sflag:s12] =	ssyncadd.s32 $0xFFFFF000  }
0xab: {  	[hbm4b:s29+s14] =	stream.strided.scatter [tilespmem:s7], [sflag:$0x3], $0x1000, s15, s14, $0x38;
	[tilespmem:$0x4280] =	vst v63  }
0xac: {  	_ =	swait.ge [sflag:s16], $0x1000  }
0xad: {  	[sflag:s16] =	ssyncset.done $0x0  }
0xae: {  	[sflag:s16] =	ssyncadd.s32 $0xFFFFF000  }
0xaf: {  	[hbm4b:s30+s14] =	stream.strided.scatter [tilespmem:s9], [sflag:$0x3], $0x1000, s15, s14, $0x38;
	[tilespmem:$0x4280] =	vst v63  }
0xb0: {  	_ =	swait.ge [sflag:s17], $0x1000  }
0xb1: {  	[sflag:s17] =	ssyncset.done $0x0  }
0xb2: {  	[sflag:s17] =	ssyncadd.s32 $0xFFFFF000  }
0xb3: {  	_ =	swait.ge [sflag:s17], $0x1000  }
0xb4: {  	[sflag:s17] =	ssyncset.done $0x0  }
0xb5: {  	[sflag:s17] =	ssyncadd.s32 $0xFFFFF000  }
.Ltmp1:
0xb6: {  	_ =	swait.ge [sflag:s17], $0x1000;
	(pc) =	sbr.rel @p0 .LBB2_1-.Ltmp1, $4  }
0xb7: {  	[sflag:s17] =	ssyncset.done $0x0  }
0xb8: {  	[sflag:s17] =	ssyncadd.s32 $0xFFFFF000  }
0xb9: {  	_ =	swait.ge [sflag:s17], $0x1000  }
0xba: {  	[sflag:s17] =	ssyncset.done $0x0  }
.LBB2_2:
0xbb: {  	[sflag:s17] =	ssyncadd.s32 $0xFFFFF000  }
0xbc: {  	_ =	sfence.sel $0x180000  }
0xbd: {  	[bflag:$0x0] =	sbarrier.arrive $0xFFFF  }
0xbe: {  	_ =	strace $0x90000047  }
0xbf: {  	[bflag:$0x2] =	sbarrier.arrive $0xFFFF  }
0xc0: {  	p0 =	sne.s32 s0, $0x0;
	s0 =	rddreg [dreg:$0x2]  }
0xc1: {  	s0 =	sadd.s32 @!p0 $0x100000, s0  }
0xc2: {  	[sflag:s0] =	ssyncadd.tile.s32 @!p0 $0x1;
	_ =	shalt  }
.Lfunc_end2:
_tile_overlayer_lowered:
.L_overlay_start_2:
0xc3: {  	(tag) =	ssettag $0x2  }
0xc4: {  	s0 =	rddreg [dreg:$0x0];
	s2 =	stileid.u32  }
0xc5: {  	s1 =	rddreg [dreg:$0x1];
	p0 =	sne.s32 s2, $0x0  }
0xc6: {  	s3 =	rddreg [dreg:$0x2];
	[bflag:$0x3] =	sbarrier.arrive $0xFFFF;
	s2 =	simm.s32 @!p0 $0x1C04  }
0xc7: {  	[timem:s3], [sflag:s2] =	dma.local @!p0 [hbm:s0], s1  }
0xc8: {  	s0 =	simm.s32 @!p0 $0x4  }
0xc9: {  	_ =	swait.ge @!p0 [sflag:s0], s1  }
0xca: {  	s1 =	ssub.s32 @!p0 $0x0, s1;
	[sflag:s0] =	ssyncset.done @!p0 $0x0  }
0xcb: {  	[sflag:s0] =	ssyncadd.s32 @!p0 s1  }
0xcc: {  	[bflag:$0x3] =	sbarrier.arrive $0xFFFF  }
0xcd: {  	_ =	shalt  }

</sc_bundles>
